<compile_context>
chip_gen: v7x
topology: tpu7x:2x2x1
jax: 0.10.2.dev20260603
libtpu: 0.0.44.dev20260713+nightly
codegen_flags: <defaults>
</compile_context>

<pallas_src>
import functools

import jax
import jax.numpy as jnp
from jax import lax
from jax.experimental import pallas as pl
from jax.experimental.pallas import tpu as pltpu
from jax.experimental.pallas import tpu_sc as plsc

DIM = 64
RVQ = 4
NC = 2
NS = 16
NW = NC * NS
BBLK = 128


def _build(B, L):
    assert B % (NW * BBLK) == 0 or B == NW * BBLK
    niters = L
    assert niters % 2 == 0
    mesh = plsc.VectorSubcoreMesh(core_axis_name="c", subcore_axis_name="s")

    @functools.partial(
        pl.kernel,
        out_type=jax.ShapeDtypeStruct((L, DIM // 8, B // 128, 8, 128),
                                      jnp.float32),
        mesh=mesh,
        scratch_types=[
            pltpu.VMEM((2, RVQ, BBLK), jnp.int32),
            pltpu.VMEM((2, RVQ, BBLK, DIM), jnp.float32),
            pltpu.VMEM((2, DIM // 8, 8, BBLK + 1), jnp.float32),
            pltpu.SemaphoreType.DMA,
            pltpu.SemaphoreType.DMA,
            pltpu.SemaphoreType.DMA,
            pltpu.SemaphoreType.DMA,
            pltpu.SemaphoreType.DMA,
            pltpu.SemaphoreType.DMA,
        ],
        compiler_params=pltpu.CompilerParams(
            use_tc_tiling_on_sc=False, needs_layout_passes=False),
    )
    def k(xT_hbm, emb_hbm, out_hbm, idx_v, g_v, out_v,
          si0, si1, sg0, sg1, so0, so1):
        sem_i, sem_g, sem_o = (si0, si1), (sg0, sg1), (so0, so1)
        wid = lax.axis_index("s") * NC + lax.axis_index("c")
        b0 = wid * BBLK

        def fire_gathers(p):
            for q in range(RVQ):
                pltpu.make_async_copy(
                    emb_hbm.at[idx_v.at[p, q]], g_v.at[p, q], sem_g[p]
                ).start()

        def wait_gathers(p):
            for q in range(RVQ):
                pltpu.make_async_copy(
                    emb_hbm.at[idx_v.at[p, q]], g_v.at[p, q], sem_g[p]
                ).wait()

        def idx_copy(l, p):
            return pltpu.make_async_copy(
                xT_hbm.at[pl.ds(RVQ * l, RVQ), pl.ds(b0, BBLK)],
                idx_v.at[p],
                sem_i[p],
            )

        def out_copy(l, p):
            return pltpu.make_async_copy(
                out_v.at[p, pl.ds(0, DIM // 8), pl.ds(0, 8), pl.ds(0, BBLK)],
                out_hbm.at[l, pl.ds(0, DIM // 8), wid],
                sem_o[p],
            )

        row = [16 * d + lax.iota(jnp.int32, 16) for d in range(DIM // 16)]
        blk_idx = [r // 8 for r in row]
        in_idx = [r % 8 for r in row]

        def compute(p):
            def body(b, c2):
                colb = jnp.full((16,), 0, jnp.int32) + b
                vals = [
                    [g_v[p, q, b, pl.ds(d * 16, 16)] for q in range(RVQ)]
                    for d in range(DIM // 16)
                ]
                for d in range(DIM // 16):
                    v0, v1, v2, v3 = vals[d]
                    plsc.store_scatter(
                        out_v.at[p], [blk_idx[d], in_idx[d], colb],
                        (v0 + v1) + (v2 + v3),
                    )
                return c2

            lax.fori_loop(0, BBLK, body, 0)

        pltpu.sync_copy(
            xT_hbm.at[pl.ds(0, RVQ), pl.ds(b0, BBLK)], idx_v.at[0]
        )
        fire_gathers(0)
        idx_copy(1, 1).start()

        def outer(j, carry):
            for p in range(2):
                i = 2 * j + p
                np_ = 1 - p

                @pl.when(i + 1 < niters)
                def _():
                    idx_copy(i + 1, np_).wait()
                    fire_gathers(np_)

                wait_gathers(p)

                @pl.when(i + 2 < niters)
                def _():
                    idx_copy(i + 2, p).start()

                @pl.when(i >= 2)
                def _():
                    out_copy(i - 2, p).wait()

                compute(p)
                out_copy(i, p).start()
            return carry

        lax.fori_loop(0, niters // 2, outer, 0)
        out_copy(niters - 2, 0).wait()
        out_copy(niters - 1, 1).wait()

    return k


def kernel(x, emb):
    B, W = x.shape
    L = W // RVQ
    assert B == NW * BBLK
    o5 = _build(B, L)(x.T, emb)
    return jnp.transpose(o5, (2, 4, 0, 1, 3)).reshape(B, L, DIM)

# --- scband reference (transcript-rebuilt; emitter-appended) ---
"""Pipeline reference for scband-sum-rvqemb-79774722556365 (READ-ONLY COPY).

The authoritative reference and input builder live on the scoring server;
editing this copy changes nothing except your own understanding.
"""

import jax, jax.numpy as jnp
import numpy as np

DIM = 64
NUM_TOKENS = 100000
NUM_RVQ_LAYERS = 4

def setup_inputs(seed: int = 0) -> dict:
    key = jax.random.key(seed)
    k1, k2 = jax.random.split(key)
    x = jax.random.randint(k1, (4096, 800), 0, NUM_TOKENS, dtype=jnp.int64 if jax.config.jax_enable_x64 else jnp.int32)
    emb = jax.random.normal(k2, (NUM_TOKENS, DIM), dtype=jnp.float32)
    return {"x": x, "emb": emb}

def reference(x, emb):
    # x: int[B, L*R] -> reshape to [B, L, R]
    B = x.shape[0]
    xr = x.reshape(B, -1, NUM_RVQ_LAYERS)
    # embedding lookup: gather rows of emb table -> [B, L, R, DIM]
    e = jnp.take(emb, xr, axis=0)
    # sum over RVQ layer axis (dim=-2)
    out = e.sum(axis=-2)
    return out

if __name__ == "__main__":
    import jax
    _d = setup_inputs()
    print(jax.jit(kernel)(*tuple(_d.values())))

</pallas_src>

<mosaic_0001>
#map = affine_map<(d0, d1) -> (0, 0)>
#map1 = affine_map<(d0, d1) -> (0, 0, 0, 0, 0)>
module attributes {stable_mosaic.version = 14 : i64} {
  func.func @k(%arg0: i32, %arg1: i32, %arg2: memref<800x4096xi32, #tpu.memory_space<hbm>>, %arg3: memref<100000x64xf32, #tpu.memory_space<hbm>>, %arg4: memref<200x8x32x8x128xf32, #tpu.memory_space<hbm>>, %arg5: memref<2x4x128xi32, #tpu.memory_space<vmem>>, %arg6: memref<2x4x128x64xf32, #tpu.memory_space<vmem>>, %arg7: memref<2x8x8x129xf32, #tpu.memory_space<vmem>>, %arg8: memref<!tpu.dma_semaphore, #tpu.memory_space<semaphore_mem>>, %arg9: memref<!tpu.dma_semaphore, #tpu.memory_space<semaphore_mem>>, %arg10: memref<!tpu.dma_semaphore, #tpu.memory_space<semaphore_mem>>, %arg11: memref<!tpu.dma_semaphore, #tpu.memory_space<semaphore_mem>>, %arg12: memref<!tpu.dma_semaphore, #tpu.memory_space<semaphore_mem>>, %arg13: memref<!tpu.dma_semaphore, #tpu.memory_space<semaphore_mem>>) attributes {dimension_semantics = [#tpu.dimension_semantics<core_parallel>, #tpu.dimension_semantics<subcore_parallel>], iteration_bounds = array<i64: 2, 16>, scalar_prefetch = 0 : i64, scratch_operands = 9 : i64, tpu.core_type = #tpu.core_type<sc_vector_subcore>, window_params = [{transform_indices = #map}, {transform_indices = #map}, {transform_indices = #map1}]} {
    %mul3A = arith.constant 2 : i32
    %mul3A_0 = arith.muli %arg1, %mul3A : i32
    %add3A = arith.addi %mul3A_0, %arg0 : i32
    %mul3A_1 = arith.constant 128 : i32
    %mul3A_2 = arith.muli %add3A, %mul3A_1 : i32
    %iota3A = tpu.iota {dimensions = array<i32: 0>} : vector<16xi32>
    %add3A_3 = arith.constant 0 : i32
    %add3A_4 = vector.broadcast %add3A_3 : i32 to vector<16xi32>
    %add3A_5 = arith.addi %add3A_4, %iota3A : vector<16xi32>
    %iota3A_6 = tpu.iota {dimensions = array<i32: 0>} : vector<16xi32>
    %add3A_7 = arith.constant 16 : i32
    %add3A_8 = vector.broadcast %add3A_7 : i32 to vector<16xi32>
    %add3A_9 = arith.addi %add3A_8, %iota3A_6 : vector<16xi32>
    %iota3A_10 = tpu.iota {dimensions = array<i32: 0>} : vector<16xi32>
    %add3A_11 = arith.constant 32 : i32
    %add3A_12 = vector.broadcast %add3A_11 : i32 to vector<16xi32>
    %add3A_13 = arith.addi %add3A_12, %iota3A_10 : vector<16xi32>
    %iota3A_14 = tpu.iota {dimensions = array<i32: 0>} : vector<16xi32>
    %add3A_15 = arith.constant 48 : i32
    %add3A_16 = vector.broadcast %add3A_15 : i32 to vector<16xi32>
    %add3A_17 = arith.addi %add3A_16, %iota3A_14 : vector<16xi32>
    %jit3A = arith.constant 8 : i32
    %div3A = vector.broadcast %jit3A : i32 to vector<16xi32>
    %div3A_18 = arith.divsi %add3A_5, %div3A : vector<16xi32>
    %sign3A = arith.constant 0 : i32
    %sign3A_19 = vector.broadcast %sign3A : i32 to vector<16xi32>
    %sign3A_20 = arith.cmpi sgt, %add3A_5, %sign3A_19 : vector<16xi32>
    %sign3A_21 = arith.extui %sign3A_20 : vector<16xi1> to vector<16xi32>
    %sign3A_22 = arith.constant 0 : i32
    %sign3A_23 = vector.broadcast %sign3A_22 : i32 to vector<16xi32>
    %sign3A_24 = arith.cmpi slt, %add3A_5, %sign3A_23 : vector<16xi32>
    %sign3A_25 = arith.extui %sign3A_24 : vector<16xi1> to vector<16xi32>
    %sign3A_26 = arith.subi %sign3A_21, %sign3A_25 : vector<16xi32>
    %sign3A_27 = arith.constant 0 : i32
    %sign3A_28 = arith.cmpi sgt, %jit3A, %sign3A_27 : i32
    %sign3A_29 = arith.extui %sign3A_28 : i1 to i32
    %sign3A_30 = arith.constant 0 : i32
    %sign3A_31 = arith.cmpi slt, %jit3A, %sign3A_30 : i32
    %sign3A_32 = arith.extui %sign3A_31 : i1 to i32
    %sign3A_33 = arith.subi %sign3A_29, %sign3A_32 : i32
    %ne3A = vector.broadcast %sign3A_33 : i32 to vector<16xi32>
    %ne3A_34 = arith.cmpi ne, %sign3A_26, %ne3A : vector<16xi32>
    %rem3A = vector.broadcast %jit3A : i32 to vector<16xi32>
    %rem3A_35 = arith.remsi %add3A_5, %rem3A : vector<16xi32>
    %ne3A_36 = arith.constant 0 : i32
    %ne3A_37 = vector.broadcast %ne3A_36 : i32 to vector<16xi32>
    %ne3A_38 = arith.cmpi ne, %rem3A_35, %ne3A_37 : vector<16xi32>
    %and3A = arith.andi %ne3A_34, %ne3A_38 : vector<16xi1>
    %sub3A = arith.constant 1 : i32
    %sub3A_39 = vector.broadcast %sub3A : i32 to vector<16xi32>
    %sub3A_40 = arith.subi %div3A_18, %sub3A_39 : vector<16xi32>
    %select_n3A = arith.select %and3A, %sub3A_40, %div3A_18 : vector<16xi1>, vector<16xi32>
    %jit3A_41 = arith.constant 8 : i32
    %div3A_42 = vector.broadcast %jit3A_41 : i32 to vector<16xi32>
    %div3A_43 = arith.divsi %add3A_9, %div3A_42 : vector<16xi32>
    %sign3A_44 = arith.constant 0 : i32
    %sign3A_45 = vector.broadcast %sign3A_44 : i32 to vector<16xi32>
    %sign3A_46 = arith.cmpi sgt, %add3A_9, %sign3A_45 : vector<16xi32>
    %sign3A_47 = arith.extui %sign3A_46 : vector<16xi1> to vector<16xi32>
    %sign3A_48 = arith.constant 0 : i32
    %sign3A_49 = vector.broadcast %sign3A_48 : i32 to vector<16xi32>
    %sign3A_50 = arith.cmpi slt, %add3A_9, %sign3A_49 : vector<16xi32>
    %sign3A_51 = arith.extui %sign3A_50 : vector<16xi1> to vector<16xi32>
    %sign3A_52 = arith.subi %sign3A_47, %sign3A_51 : vector<16xi32>
    %sign3A_53 = arith.constant 0 : i32
    %sign3A_54 = arith.cmpi sgt, %jit3A_41, %sign3A_53 : i32
    %sign3A_55 = arith.extui %sign3A_54 : i1 to i32
    %sign3A_56 = arith.constant 0 : i32
    %sign3A_57 = arith.cmpi slt, %jit3A_41, %sign3A_56 : i32
    %sign3A_58 = arith.extui %sign3A_57 : i1 to i32
    %sign3A_59 = arith.subi %sign3A_55, %sign3A_58 : i32
    %ne3A_60 = vector.broadcast %sign3A_59 : i32 to vector<16xi32>
    %ne3A_61 = arith.cmpi ne, %sign3A_52, %ne3A_60 : vector<16xi32>
    %rem3A_62 = vector.broadcast %jit3A_41 : i32 to vector<16xi32>
    %rem3A_63 = arith.remsi %add3A_9, %rem3A_62 : vector<16xi32>
    %ne3A_64 = arith.constant 0 : i32
    %ne3A_65 = vector.broadcast %ne3A_64 : i32 to vector<16xi32>
    %ne3A_66 = arith.cmpi ne, %rem3A_63, %ne3A_65 : vector<16xi32>
    %and3A_67 = arith.andi %ne3A_61, %ne3A_66 : vector<16xi1>
    %sub3A_68 = arith.constant 1 : i32
    %sub3A_69 = vector.broadcast %sub3A_68 : i32 to vector<16xi32>
    %sub3A_70 = arith.subi %div3A_43, %sub3A_69 : vector<16xi32>
    %select_n3A_71 = arith.select %and3A_67, %sub3A_70, %div3A_43 : vector<16xi1>, vector<16xi32>
    %jit3A_72 = arith.constant 8 : i32
    %div3A_73 = vector.broadcast %jit3A_72 : i32 to vector<16xi32>
    %div3A_74 = arith.divsi %add3A_13, %div3A_73 : vector<16xi32>
    %sign3A_75 = arith.constant 0 : i32
    %sign3A_76 = vector.broadcast %sign3A_75 : i32 to vector<16xi32>
    %sign3A_77 = arith.cmpi sgt, %add3A_13, %sign3A_76 : vector<16xi32>
    %sign3A_78 = arith.extui %sign3A_77 : vector<16xi1> to vector<16xi32>
    %sign3A_79 = arith.constant 0 : i32
    %sign3A_80 = vector.broadcast %sign3A_79 : i32 to vector<16xi32>
    %sign3A_81 = arith.cmpi slt, %add3A_13, %sign3A_80 : vector<16xi32>
    %sign3A_82 = arith.extui %sign3A_81 : vector<16xi1> to vector<16xi32>
    %sign3A_83 = arith.subi %sign3A_78, %sign3A_82 : vector<16xi32>
    %sign3A_84 = arith.constant 0 : i32
    %sign3A_85 = arith.cmpi sgt, %jit3A_72, %sign3A_84 : i32
    %sign3A_86 = arith.extui %sign3A_85 : i1 to i32
    %sign3A_87 = arith.constant 0 : i32
    %sign3A_88 = arith.cmpi slt, %jit3A_72, %sign3A_87 : i32
    %sign3A_89 = arith.extui %sign3A_88 : i1 to i32
    %sign3A_90 = arith.subi %sign3A_86, %sign3A_89 : i32
    %ne3A_91 = vector.broadcast %sign3A_90 : i32 to vector<16xi32>
    %ne3A_92 = arith.cmpi ne, %sign3A_83, %ne3A_91 : vector<16xi32>
    %rem3A_93 = vector.broadcast %jit3A_72 : i32 to vector<16xi32>
    %rem3A_94 = arith.remsi %add3A_13, %rem3A_93 : vector<16xi32>
    %ne3A_95 = arith.constant 0 : i32
    %ne3A_96 = vector.broadcast %ne3A_95 : i32 to vector<16xi32>
    %ne3A_97 = arith.cmpi ne, %rem3A_94, %ne3A_96 : vector<16xi32>
    %and3A_98 = arith.andi %ne3A_92, %ne3A_97 : vector<16xi1>
    %sub3A_99 = arith.constant 1 : i32
    %sub3A_100 = vector.broadcast %sub3A_99 : i32 to vector<16xi32>
    %sub3A_101 = arith.subi %div3A_74, %sub3A_100 : vector<16xi32>
    %select_n3A_102 = arith.select %and3A_98, %sub3A_101, %div3A_74 : vector<16xi1>, vector<16xi32>
    %jit3A_103 = arith.constant 8 : i32
    %div3A_104 = vector.broadcast %jit3A_103 : i32 to vector<16xi32>
    %div3A_105 = arith.divsi %add3A_17, %div3A_104 : vector<16xi32>
    %sign3A_106 = arith.constant 0 : i32
    %sign3A_107 = vector.broadcast %sign3A_106 : i32 to vector<16xi32>
    %sign3A_108 = arith.cmpi sgt, %add3A_17, %sign3A_107 : vector<16xi32>
    %sign3A_109 = arith.extui %sign3A_108 : vector<16xi1> to vector<16xi32>
    %sign3A_110 = arith.constant 0 : i32
    %sign3A_111 = vector.broadcast %sign3A_110 : i32 to vector<16xi32>
    %sign3A_112 = arith.cmpi slt, %add3A_17, %sign3A_111 : vector<16xi32>
    %sign3A_113 = arith.extui %sign3A_112 : vector<16xi1> to vector<16xi32>
    %sign3A_114 = arith.subi %sign3A_109, %sign3A_113 : vector<16xi32>
    %sign3A_115 = arith.constant 0 : i32
    %sign3A_116 = arith.cmpi sgt, %jit3A_103, %sign3A_115 : i32
    %sign3A_117 = arith.extui %sign3A_116 : i1 to i32
    %sign3A_118 = arith.constant 0 : i32
    %sign3A_119 = arith.cmpi slt, %jit3A_103, %sign3A_118 : i32
    %sign3A_120 = arith.extui %sign3A_119 : i1 to i32
    %sign3A_121 = arith.subi %sign3A_117, %sign3A_120 : i32
    %ne3A_122 = vector.broadcast %sign3A_121 : i32 to vector<16xi32>
    %ne3A_123 = arith.cmpi ne, %sign3A_114, %ne3A_122 : vector<16xi32>
    %rem3A_124 = vector.broadcast %jit3A_103 : i32 to vector<16xi32>
    %rem3A_125 = arith.remsi %add3A_17, %rem3A_124 : vector<16xi32>
    %ne3A_126 = arith.constant 0 : i32
    %ne3A_127 = vector.broadcast %ne3A_126 : i32 to vector<16xi32>
    %ne3A_128 = arith.cmpi ne, %rem3A_125, %ne3A_127 : vector<16xi32>
    %and3A_129 = arith.andi %ne3A_123, %ne3A_128 : vector<16xi1>
    %sub3A_130 = arith.constant 1 : i32
    %sub3A_131 = vector.broadcast %sub3A_130 : i32 to vector<16xi32>
    %sub3A_132 = arith.subi %div3A_105, %sub3A_131 : vector<16xi32>
    %select_n3A_133 = arith.select %and3A_129, %sub3A_132, %div3A_105 : vector<16xi1>, vector<16xi32>
    %jit3A_134 = arith.constant 8 : i32
    %eq3A = arith.constant 0 : i32
    %eq3A_135 = arith.cmpi eq, %jit3A_134, %eq3A : i32
    %jit3A_136 = arith.constant 1 : i32
    %select_n3A_137 = arith.select %eq3A_135, %jit3A_136, %jit3A_134 : i32
    %rem3A_138 = vector.broadcast %select_n3A_137 : i32 to vector<16xi32>
    %rem3A_139 = arith.remsi %add3A_5, %rem3A_138 : vector<16xi32>
    %ne3A_140 = arith.constant 0 : i32
    %ne3A_141 = vector.broadcast %ne3A_140 : i32 to vector<16xi32>
    %ne3A_142 = arith.cmpi ne, %rem3A_139, %ne3A_141 : vector<16xi32>
    %lt3A = arith.constant 0 : i32
    %lt3A_143 = vector.broadcast %lt3A : i32 to vector<16xi32>
    %lt3A_144 = arith.cmpi slt, %rem3A_139, %lt3A_143 : vector<16xi32>
    %lt3A_145 = arith.constant 0 : i32
    %lt3A_146 = arith.cmpi slt, %select_n3A_137, %lt3A_145 : i32
    %ne3A_147 = vector.broadcast %lt3A_146 : i1 to vector<16xi1>
    %ne3A_148 = vector.broadcast %ne3A_147 : vector<16xi1> to vector<16xi1>
    %ne3A_149 = arith.xori %lt3A_144, %ne3A_148 : vector<16xi1>
    %and3A_150 = arith.andi %ne3A_149, %ne3A_142 : vector<16xi1>
    %add3A_151 = vector.broadcast %select_n3A_137 : i32 to vector<16xi32>
    %add3A_152 = arith.addi %rem3A_139, %add3A_151 : vector<16xi32>
    %select_n3A_153 = arith.select %and3A_150, %add3A_152, %rem3A_139 : vector<16xi1>, vector<16xi32>
    %jit3A_154 = arith.constant 8 : i32
    %eq3A_155 = arith.constant 0 : i32
    %eq3A_156 = arith.cmpi eq, %jit3A_154, %eq3A_155 : i32
    %jit3A_157 = arith.constant 1 : i32
    %select_n3A_158 = arith.select %eq3A_156, %jit3A_157, %jit3A_154 : i32
    %rem3A_159 = vector.broadcast %select_n3A_158 : i32 to vector<16xi32>
    %rem3A_160 = arith.remsi %add3A_9, %rem3A_159 : vector<16xi32>
    %ne3A_161 = arith.constant 0 : i32
    %ne3A_162 = vector.broadcast %ne3A_161 : i32 to vector<16xi32>
    %ne3A_163 = arith.cmpi ne, %rem3A_160, %ne3A_162 : vector<16xi32>
    %lt3A_164 = arith.constant 0 : i32
    %lt3A_165 = vector.broadcast %lt3A_164 : i32 to vector<16xi32>
    %lt3A_166 = arith.cmpi slt, %rem3A_160, %lt3A_165 : vector<16xi32>
    %lt3A_167 = arith.constant 0 : i32
    %lt3A_168 = arith.cmpi slt, %select_n3A_158, %lt3A_167 : i32
    %ne3A_169 = vector.broadcast %lt3A_168 : i1 to vector<16xi1>
    %ne3A_170 = vector.broadcast %ne3A_169 : vector<16xi1> to vector<16xi1>
    %ne3A_171 = arith.xori %lt3A_166, %ne3A_170 : vector<16xi1>
    %and3A_172 = arith.andi %ne3A_171, %ne3A_163 : vector<16xi1>
    %add3A_173 = vector.broadcast %select_n3A_158 : i32 to vector<16xi32>
    %add3A_174 = arith.addi %rem3A_160, %add3A_173 : vector<16xi32>
    %select_n3A_175 = arith.select %and3A_172, %add3A_174, %rem3A_160 : vector<16xi1>, vector<16xi32>
    %jit3A_176 = arith.constant 8 : i32
    %eq3A_177 = arith.constant 0 : i32
    %eq3A_178 = arith.cmpi eq, %jit3A_176, %eq3A_177 : i32
    %jit3A_179 = arith.constant 1 : i32
    %select_n3A_180 = arith.select %eq3A_178, %jit3A_179, %jit3A_176 : i32
    %rem3A_181 = vector.broadcast %select_n3A_180 : i32 to vector<16xi32>
    %rem3A_182 = arith.remsi %add3A_13, %rem3A_181 : vector<16xi32>
    %ne3A_183 = arith.constant 0 : i32
    %ne3A_184 = vector.broadcast %ne3A_183 : i32 to vector<16xi32>
    %ne3A_185 = arith.cmpi ne, %rem3A_182, %ne3A_184 : vector<16xi32>
    %lt3A_186 = arith.constant 0 : i32
    %lt3A_187 = vector.broadcast %lt3A_186 : i32 to vector<16xi32>
    %lt3A_188 = arith.cmpi slt, %rem3A_182, %lt3A_187 : vector<16xi32>
    %lt3A_189 = arith.constant 0 : i32
    %lt3A_190 = arith.cmpi slt, %select_n3A_180, %lt3A_189 : i32
    %ne3A_191 = vector.broadcast %lt3A_190 : i1 to vector<16xi1>
    %ne3A_192 = vector.broadcast %ne3A_191 : vector<16xi1> to vector<16xi1>
    %ne3A_193 = arith.xori %lt3A_188, %ne3A_192 : vector<16xi1>
    %and3A_194 = arith.andi %ne3A_193, %ne3A_185 : vector<16xi1>
    %add3A_195 = vector.broadcast %select_n3A_180 : i32 to vector<16xi32>
    %add3A_196 = arith.addi %rem3A_182, %add3A_195 : vector<16xi32>
    %select_n3A_197 = arith.select %and3A_194, %add3A_196, %rem3A_182 : vector<16xi1>, vector<16xi32>
    %jit3A_198 = arith.constant 8 : i32
    %eq3A_199 = arith.constant 0 : i32
    %eq3A_200 = arith.cmpi eq, %jit3A_198, %eq3A_199 : i32
    %jit3A_201 = arith.constant 1 : i32
    %select_n3A_202 = arith.select %eq3A_200, %jit3A_201, %jit3A_198 : i32
    %rem3A_203 = vector.broadcast %select_n3A_202 : i32 to vector<16xi32>
    %rem3A_204 = arith.remsi %add3A_17, %rem3A_203 : vector<16xi32>
    %ne3A_205 = arith.constant 0 : i32
    %ne3A_206 = vector.broadcast %ne3A_205 : i32 to vector<16xi32>
    %ne3A_207 = arith.cmpi ne, %rem3A_204, %ne3A_206 : vector<16xi32>
    %lt3A_208 = arith.constant 0 : i32
    %lt3A_209 = vector.broadcast %lt3A_208 : i32 to vector<16xi32>
    %lt3A_210 = arith.cmpi slt, %rem3A_204, %lt3A_209 : vector<16xi32>
    %lt3A_211 = arith.constant 0 : i32
    %lt3A_212 = arith.cmpi slt, %select_n3A_202, %lt3A_211 : i32
    %ne3A_213 = vector.broadcast %lt3A_212 : i1 to vector<16xi1>
    %ne3A_214 = vector.broadcast %ne3A_213 : vector<16xi1> to vector<16xi1>
    %ne3A_215 = arith.xori %lt3A_210, %ne3A_214 : vector<16xi1>
    %and3A_216 = arith.andi %ne3A_215, %ne3A_207 : vector<16xi1>
    %add3A_217 = vector.broadcast %select_n3A_202 : i32 to vector<16xi32>
    %add3A_218 = arith.addi %rem3A_204, %add3A_217 : vector<16xi32>
    %select_n3A_219 = arith.select %and3A_216, %add3A_218, %rem3A_204 : vector<16xi1>, vector<16xi32>
    %run_scoped3A = arith.constant 0 : i32
    "tpu.region"() ({
      %run_scoped3A_336 = tpu.sem_alloc : memref<!tpu.dma_semaphore, #tpu.memory_space<semaphore_mem>>
      %dma_start3A_337 = arith.constant 0 : i32
      %dma_start3A_338 = arith.constant 0 : i32
      %dma_start3A_339 = tpu.memref_slice %arg5[%run_scoped3A, %dma_start3A_337, %dma_start3A_338] : memref<2x4x128xi32, #tpu.memory_space<vmem>> -> memref<1x4x128xi32, #tpu.memory_space<vmem>>
      %dma_start3A_340 = tpu.memref_squeeze %dma_start3A_339 : memref<1x4x128xi32, #tpu.memory_space<vmem>> -> memref<4x128xi32, #tpu.memory_space<vmem>>
      %dma_start3A_341 = arith.constant 0 : i32
      %dma_start3A_342 = tpu.memref_slice %arg2[%dma_start3A_341, %mul3A_2] : memref<800x4096xi32, #tpu.memory_space<hbm>> -> memref<4x128xi32, #tpu.memory_space<hbm>>
      %dma_start3A_343 = arith.constant 0 : i32
      %dma_start3A_344 = arith.constant 0 : i32
      %dma_start3A_345 = tpu.memref_slice %arg5[%run_scoped3A, %dma_start3A_343, %dma_start3A_344] : memref<2x4x128xi32, #tpu.memory_space<vmem>> -> memref<1x4x128xi32, #tpu.memory_space<vmem>>
      %dma_start3A_346 = tpu.memref_squeeze %dma_start3A_345 : memref<1x4x128xi32, #tpu.memory_space<vmem>> -> memref<4x128xi32, #tpu.memory_space<vmem>>
      %dma_start3A_347 = arith.constant 0 : i32
      %dma_start3A_348 = tpu.memref_slice %arg2[%dma_start3A_347, %mul3A_2] : memref<800x4096xi32, #tpu.memory_space<hbm>> -> memref<4x128xi32, #tpu.memory_space<hbm>>
      tpu.enqueue_dma source(%dma_start3A_348 : memref<4x128xi32, #tpu.memory_space<hbm>>) target(%dma_start3A_346 : memref<4x128xi32, #tpu.memory_space<vmem>>) target_semaphore(%run_scoped3A_336 : memref<!tpu.dma_semaphore, #tpu.memory_space<semaphore_mem>>)
      %dma_wait3A_349 = arith.constant 0 : i32
      %dma_wait3A_350 = arith.constant 0 : i32
      %dma_wait3A_351 = tpu.memref_slice %arg5[%run_scoped3A, %dma_wait3A_349, %dma_wait3A_350] : memref<2x4x128xi32, #tpu.memory_space<vmem>> -> memref<1x4x128xi32, #tpu.memory_space<vmem>>
      %dma_wait3A_352 = tpu.memref_squeeze %dma_wait3A_351 : memref<1x4x128xi32, #tpu.memory_space<vmem>> -> memref<4x128xi32, #tpu.memory_space<vmem>>
      %dma_wait3A_353 = arith.constant 0 : i32
      %dma_wait3A_354 = tpu.memref_slice %arg2[%dma_wait3A_353, %mul3A_2] : memref<800x4096xi32, #tpu.memory_space<hbm>> -> memref<4x128xi32, #tpu.memory_space<hbm>>
      %dma_wait3A_355 = arith.constant 0 : i32
      %dma_wait3A_356 = arith.constant 0 : i32
      %dma_wait3A_357 = tpu.memref_slice %arg5[%run_scoped3A, %dma_wait3A_355, %dma_wait3A_356] : memref<2x4x128xi32, #tpu.memory_space<vmem>> -> memref<1x4x128xi32, #tpu.memory_space<vmem>>
      %dma_wait3A_358 = tpu.memref_squeeze %dma_wait3A_357 : memref<1x4x128xi32, #tpu.memory_space<vmem>> -> memref<4x128xi32, #tpu.memory_space<vmem>>
      %dma_wait3A_359 = arith.constant 0 : i32
      %dma_wait3A_360 = tpu.memref_slice %arg2[%dma_wait3A_359, %mul3A_2] : memref<800x4096xi32, #tpu.memory_space<hbm>> -> memref<4x128xi32, #tpu.memory_space<hbm>>
      tpu.wait_dma2 semaphore(%run_scoped3A_336 : memref<!tpu.dma_semaphore, #tpu.memory_space<semaphore_mem>>) src(%dma_wait3A_360 : memref<4x128xi32, #tpu.memory_space<hbm>>) dst(%dma_wait3A_358 : memref<4x128xi32, #tpu.memory_space<vmem>>)
      tpu.yield
    }) : () -> ()
    %dma_start3A = arith.constant 0 : i32
    %dma_start3A_220 = arith.constant 0 : i32
    %dma_start3A_221 = arith.constant 0 : i32
    %dma_start3A_222 = arith.constant 0 : i32
    %dma_start3A_223 = arith.constant 0 : i32
    %dma_start3A_224 = arith.constant 0 : i32
    %dma_start3A_225 = tpu.memref_slice %arg6[%dma_start3A_221, %dma_start3A_222, %dma_start3A_223, %dma_start3A_224] : memref<2x4x128x64xf32, #tpu.memory_space<vmem>> -> memref<1x1x128x64xf32, #tpu.memory_space<vmem>>
    %dma_start3A_226 = tpu.memref_squeeze %dma_start3A_225 : memref<1x1x128x64xf32, #tpu.memory_space<vmem>> -> memref<128x64xf32, #tpu.memory_space<vmem>>
    %dma_start3A_227 = arith.constant 0 : i32
    %dma_start3A_228 = tpu.memref_slice %arg5[%dma_start3A, %dma_start3A_220, %dma_start3A_227] : memref<2x4x128xi32, #tpu.memory_space<vmem>> -> memref<1x1x128xi32, #tpu.memory_space<vmem>>
    %dma_start3A_229 = tpu.memref_squeeze %dma_start3A_228 : memref<1x1x128xi32, #tpu.memory_space<vmem>> -> memref<128xi32, #tpu.memory_space<vmem>>
    %dma_start3A_230 = arith.constant 0 : i32
    %dma_start3A_231 = arith.constant 0 : i32
    %dma_start3A_232 = tpu.memref_slice %arg3[%dma_start3A_230, %dma_start3A_231] : memref<100000x64xf32, #tpu.memory_space<hbm>> -> memref<100000x64xf32, #tpu.memory_space<hbm>>
    tpu.enqueue_indirect_dma source(%dma_start3A_232 : memref<100000x64xf32, #tpu.memory_space<hbm>>) target(%dma_start3A_226 : memref<128x64xf32, #tpu.memory_space<vmem>>) offsets(%dma_start3A_229 : memref<128xi32, #tpu.memory_space<vmem>>) semaphore(%arg10 : memref<!tpu.dma_semaphore, #tpu.memory_space<semaphore_mem>>)
    %dma_start3A_233 = arith.constant 0 : i32
    %dma_start3A_234 = arith.constant 1 : i32
    %dma_start3A_235 = arith.constant 0 : i32
    %dma_start3A_236 = arith.constant 1 : i32
    %dma_start3A_237 = arith.constant 0 : i32
    %dma_start3A_238 = arith.constant 0 : i32
    %dma_start3A_239 = tpu.memref_slice %arg6[%dma_start3A_235, %dma_start3A_236, %dma_start3A_237, %dma_start3A_238] : memref<2x4x128x64xf32, #tpu.memory_space<vmem>> -> memref<1x1x128x64xf32, #tpu.memory_space<vmem>>
    %dma_start3A_240 = tpu.memref_squeeze %dma_start3A_239 : memref<1x1x128x64xf32, #tpu.memory_space<vmem>> -> memref<128x64xf32, #tpu.memory_space<vmem>>
    %dma_start3A_241 = arith.constant 0 : i32
    %dma_start3A_242 = tpu.memref_slice %arg5[%dma_start3A_233, %dma_start3A_234, %dma_start3A_241] : memref<2x4x128xi32, #tpu.memory_space<vmem>> -> memref<1x1x128xi32, #tpu.memory_space<vmem>>
    %dma_start3A_243 = tpu.memref_squeeze %dma_start3A_242 : memref<1x1x128xi32, #tpu.memory_space<vmem>> -> memref<128xi32, #tpu.memory_space<vmem>>
    %dma_start3A_244 = arith.constant 0 : i32
    %dma_start3A_245 = arith.constant 0 : i32
    %dma_start3A_246 = tpu.memref_slice %arg3[%dma_start3A_244, %dma_start3A_245] : memref<100000x64xf32, #tpu.memory_space<hbm>> -> memref<100000x64xf32, #tpu.memory_space<hbm>>
    tpu.enqueue_indirect_dma source(%dma_start3A_246 : memref<100000x64xf32, #tpu.memory_space<hbm>>) target(%dma_start3A_240 : memref<128x64xf32, #tpu.memory_space<vmem>>) offsets(%dma_start3A_243 : memref<128xi32, #tpu.memory_space<vmem>>) semaphore(%arg10 : memref<!tpu.dma_semaphore, #tpu.memory_space<semaphore_mem>>)
    %dma_start3A_247 = arith.constant 0 : i32
    %dma_start3A_248 = arith.constant 2 : i32
    %dma_start3A_249 = arith.constant 0 : i32
    %dma_start3A_250 = arith.constant 2 : i32
    %dma_start3A_251 = arith.constant 0 : i32
    %dma_start3A_252 = arith.constant 0 : i32
    %dma_start3A_253 = tpu.memref_slice %arg6[%dma_start3A_249, %dma_start3A_250, %dma_start3A_251, %dma_start3A_252] : memref<2x4x128x64xf32, #tpu.memory_space<vmem>> -> memref<1x1x128x64xf32, #tpu.memory_space<vmem>>
    %dma_start3A_254 = tpu.memref_squeeze %dma_start3A_253 : memref<1x1x128x64xf32, #tpu.memory_space<vmem>> -> memref<128x64xf32, #tpu.memory_space<vmem>>
    %dma_start3A_255 = arith.constant 0 : i32
    %dma_start3A_256 = tpu.memref_slice %arg5[%dma_start3A_247, %dma_start3A_248, %dma_start3A_255] : memref<2x4x128xi32, #tpu.memory_space<vmem>> -> memref<1x1x128xi32, #tpu.memory_space<vmem>>
    %dma_start3A_257 = tpu.memref_squeeze %dma_start3A_256 : memref<1x1x128xi32, #tpu.memory_space<vmem>> -> memref<128xi32, #tpu.memory_space<vmem>>
    %dma_start3A_258 = arith.constant 0 : i32
    %dma_start3A_259 = arith.constant 0 : i32
    %dma_start3A_260 = tpu.memref_slice %arg3[%dma_start3A_258, %dma_start3A_259] : memref<100000x64xf32, #tpu.memory_space<hbm>> -> memref<100000x64xf32, #tpu.memory_space<hbm>>
    tpu.enqueue_indirect_dma source(%dma_start3A_260 : memref<100000x64xf32, #tpu.memory_space<hbm>>) target(%dma_start3A_254 : memref<128x64xf32, #tpu.memory_space<vmem>>) offsets(%dma_start3A_257 : memref<128xi32, #tpu.memory_space<vmem>>) semaphore(%arg10 : memref<!tpu.dma_semaphore, #tpu.memory_space<semaphore_mem>>)
    %dma_start3A_261 = arith.constant 0 : i32
    %dma_start3A_262 = arith.constant 3 : i32
    %dma_start3A_263 = arith.constant 0 : i32
    %dma_start3A_264 = arith.constant 3 : i32
    %dma_start3A_265 = arith.constant 0 : i32
    %dma_start3A_266 = arith.constant 0 : i32
    %dma_start3A_267 = tpu.memref_slice %arg6[%dma_start3A_263, %dma_start3A_264, %dma_start3A_265, %dma_start3A_266] : memref<2x4x128x64xf32, #tpu.memory_space<vmem>> -> memref<1x1x128x64xf32, #tpu.memory_space<vmem>>
    %dma_start3A_268 = tpu.memref_squeeze %dma_start3A_267 : memref<1x1x128x64xf32, #tpu.memory_space<vmem>> -> memref<128x64xf32, #tpu.memory_space<vmem>>
    %dma_start3A_269 = arith.constant 0 : i32
    %dma_start3A_270 = tpu.memref_slice %arg5[%dma_start3A_261, %dma_start3A_262, %dma_start3A_269] : memref<2x4x128xi32, #tpu.memory_space<vmem>> -> memref<1x1x128xi32, #tpu.memory_space<vmem>>
    %dma_start3A_271 = tpu.memref_squeeze %dma_start3A_270 : memref<1x1x128xi32, #tpu.memory_space<vmem>> -> memref<128xi32, #tpu.memory_space<vmem>>
    %dma_start3A_272 = arith.constant 0 : i32
    %dma_start3A_273 = arith.constant 0 : i32
    %dma_start3A_274 = tpu.memref_slice %arg3[%dma_start3A_272, %dma_start3A_273] : memref<100000x64xf32, #tpu.memory_space<hbm>> -> memref<100000x64xf32, #tpu.memory_space<hbm>>
    tpu.enqueue_indirect_dma source(%dma_start3A_274 : memref<100000x64xf32, #tpu.memory_space<hbm>>) target(%dma_start3A_268 : memref<128x64xf32, #tpu.memory_space<vmem>>) offsets(%dma_start3A_271 : memref<128xi32, #tpu.memory_space<vmem>>) semaphore(%arg10 : memref<!tpu.dma_semaphore, #tpu.memory_space<semaphore_mem>>)
    %dma_start3A_275 = arith.constant 1 : i32
    %dma_start3A_276 = arith.constant 0 : i32
    %dma_start3A_277 = arith.constant 0 : i32
    %dma_start3A_278 = tpu.memref_slice %arg5[%dma_start3A_275, %dma_start3A_276, %dma_start3A_277] : memref<2x4x128xi32, #tpu.memory_space<vmem>> -> memref<1x4x128xi32, #tpu.memory_space<vmem>>
    %dma_start3A_279 = tpu.memref_squeeze %dma_start3A_278 : memref<1x4x128xi32, #tpu.memory_space<vmem>> -> memref<4x128xi32, #tpu.memory_space<vmem>>
    %dma_start3A_280 = arith.constant 4 : i32
    %dma_start3A_281 = tpu.memref_slice %arg2[%dma_start3A_280, %mul3A_2] : memref<800x4096xi32, #tpu.memory_space<hbm>> -> memref<4x128xi32, #tpu.memory_space<hbm>>
    %dma_start3A_282 = arith.constant 0 : i32
    %dma_start3A_283 = arith.constant 0 : i32
    %dma_start3A_284 = tpu.memref_slice %arg5[%dma_start3A_275, %dma_start3A_282, %dma_start3A_283] : memref<2x4x128xi32, #tpu.memory_space<vmem>> -> memref<1x4x128xi32, #tpu.memory_space<vmem>>
    %dma_start3A_285 = tpu.memref_squeeze %dma_start3A_284 : memref<1x4x128xi32, #tpu.memory_space<vmem>> -> memref<4x128xi32, #tpu.memory_space<vmem>>
    %dma_start3A_286 = arith.constant 4 : i32
    %dma_start3A_287 = tpu.memref_slice %arg2[%dma_start3A_286, %mul3A_2] : memref<800x4096xi32, #tpu.memory_space<hbm>> -> memref<4x128xi32, #tpu.memory_space<hbm>>
    tpu.enqueue_dma source(%dma_start3A_287 : memref<4x128xi32, #tpu.memory_space<hbm>>) target(%dma_start3A_285 : memref<4x128xi32, #tpu.memory_space<vmem>>) target_semaphore(%arg9 : memref<!tpu.dma_semaphore, #tpu.memory_space<semaphore_mem>>)
    %scan3A = arith.constant 0 : i32
    %scan3A_288 = arith.constant 0 : i32
    %scan3A_289 = arith.constant 100 : i32
    %scan3A_290 = arith.addi %scan3A_288, %scan3A_289 : i32
    %scan3A_291 = arith.constant 1 : i32
    scf.for %scan3A_336 = %scan3A_288 to %scan3A_290 step %scan3A_291  : i32 {
      %mul3A_337 = arith.constant 2 : i32
      %mul3A_338 = arith.muli %mul3A_337, %scan3A_336 : i32
      %add3A_339 = arith.constant 0 : i32
      %add3A_340 = arith.addi %mul3A_338, %add3A_339 : i32
      %add3A_341 = arith.constant 1 : i32
      %add3A_342 = arith.addi %add3A_340, %add3A_341 : i32
      %lt3A_343 = arith.constant 200 : i32
      %lt3A_344 = arith.cmpi slt, %add3A_342, %lt3A_343 : i32
      %convert_element_type3A = arith.extui %lt3A_344 : i1 to i32
      %cond3A = arith.constant 0 : i32
      %cond3A_345 = arith.cmpi ne, %convert_element_type3A, %cond3A : i32
      scf.if %cond3A_345 {
        %add3A_546 = arith.constant 1 : i32
        %add3A_547 = arith.addi %add3A_340, %add3A_546 : i32
        %mul3A_548 = arith.constant 4 : i32
        %mul3A_549 = arith.muli %mul3A_548, %add3A_547 : i32
        %dma_wait3A_550 = arith.constant 1 : i32
        %dma_wait3A_551 = arith.constant 0 : i32
        %dma_wait3A_552 = arith.constant 0 : i32
        %dma_wait3A_553 = tpu.memref_slice %arg5[%dma_wait3A_550, %dma_wait3A_551, %dma_wait3A_552] : memref<2x4x128xi32, #tpu.memory_space<vmem>> -> memref<1x4x128xi32, #tpu.memory_space<vmem>>
        %dma_wait3A_554 = tpu.memref_squeeze %dma_wait3A_553 : memref<1x4x128xi32, #tpu.memory_space<vmem>> -> memref<4x128xi32, #tpu.memory_space<vmem>>
        %dma_wait3A_555 = tpu.memref_slice %arg2[%mul3A_549, %mul3A_2] : memref<800x4096xi32, #tpu.memory_space<hbm>> -> memref<4x128xi32, #tpu.memory_space<hbm>>
        %dma_wait3A_556 = arith.constant 0 : i32
        %dma_wait3A_557 = arith.constant 0 : i32
        %dma_wait3A_558 = tpu.memref_slice %arg5[%dma_wait3A_550, %dma_wait3A_556, %dma_wait3A_557] : memref<2x4x128xi32, #tpu.memory_space<vmem>> -> memref<1x4x128xi32, #tpu.memory_space<vmem>>
        %dma_wait3A_559 = tpu.memref_squeeze %dma_wait3A_558 : memref<1x4x128xi32, #tpu.memory_space<vmem>> -> memref<4x128xi32, #tpu.memory_space<vmem>>
        %dma_wait3A_560 = tpu.memref_slice %arg2[%mul3A_549, %mul3A_2] : memref<800x4096xi32, #tpu.memory_space<hbm>> -> memref<4x128xi32, #tpu.memory_space<hbm>>
        tpu.wait_dma2 semaphore(%arg9 : memref<!tpu.dma_semaphore, #tpu.memory_space<semaphore_mem>>) src(%dma_wait3A_560 : memref<4x128xi32, #tpu.memory_space<hbm>>) dst(%dma_wait3A_559 : memref<4x128xi32, #tpu.memory_space<vmem>>)
        %dma_start3A_561 = arith.constant 1 : i32
        %dma_start3A_562 = arith.constant 0 : i32
        %dma_start3A_563 = arith.constant 1 : i32
        %dma_start3A_564 = arith.constant 0 : i32
        %dma_start3A_565 = arith.constant 0 : i32
        %dma_start3A_566 = arith.constant 0 : i32
        %dma_start3A_567 = tpu.memref_slice %arg6[%dma_start3A_563, %dma_start3A_564, %dma_start3A_565, %dma_start3A_566] : memref<2x4x128x64xf32, #tpu.memory_space<vmem>> -> memref<1x1x128x64xf32, #tpu.memory_space<vmem>>
        %dma_start3A_568 = tpu.memref_squeeze %dma_start3A_567 : memref<1x1x128x64xf32, #tpu.memory_space<vmem>> -> memref<128x64xf32, #tpu.memory_space<vmem>>
        %dma_start3A_569 = arith.constant 0 : i32
        %dma_start3A_570 = tpu.memref_slice %arg5[%dma_start3A_561, %dma_start3A_562, %dma_start3A_569] : memref<2x4x128xi32, #tpu.memory_space<vmem>> -> memref<1x1x128xi32, #tpu.memory_space<vmem>>
        %dma_start3A_571 = tpu.memref_squeeze %dma_start3A_570 : memref<1x1x128xi32, #tpu.memory_space<vmem>> -> memref<128xi32, #tpu.memory_space<vmem>>
        %dma_start3A_572 = arith.constant 0 : i32
        %dma_start3A_573 = arith.constant 0 : i32
        %dma_start3A_574 = tpu.memref_slice %arg3[%dma_start3A_572, %dma_start3A_573] : memref<100000x64xf32, #tpu.memory_space<hbm>> -> memref<100000x64xf32, #tpu.memory_space<hbm>>
        tpu.enqueue_indirect_dma source(%dma_start3A_574 : memref<100000x64xf32, #tpu.memory_space<hbm>>) target(%dma_start3A_568 : memref<128x64xf32, #tpu.memory_space<vmem>>) offsets(%dma_start3A_571 : memref<128xi32, #tpu.memory_space<vmem>>) semaphore(%arg11 : memref<!tpu.dma_semaphore, #tpu.memory_space<semaphore_mem>>)
        %dma_start3A_575 = arith.constant 1 : i32
        %dma_start3A_576 = arith.constant 1 : i32
        %dma_start3A_577 = arith.constant 1 : i32
        %dma_start3A_578 = arith.constant 1 : i32
        %dma_start3A_579 = arith.constant 0 : i32
        %dma_start3A_580 = arith.constant 0 : i32
        %dma_start3A_581 = tpu.memref_slice %arg6[%dma_start3A_577, %dma_start3A_578, %dma_start3A_579, %dma_start3A_580] : memref<2x4x128x64xf32, #tpu.memory_space<vmem>> -> memref<1x1x128x64xf32, #tpu.memory_space<vmem>>
        %dma_start3A_582 = tpu.memref_squeeze %dma_start3A_581 : memref<1x1x128x64xf32, #tpu.memory_space<vmem>> -> memref<128x64xf32, #tpu.memory_space<vmem>>
        %dma_start3A_583 = arith.constant 0 : i32
        %dma_start3A_584 = tpu.memref_slice %arg5[%dma_start3A_575, %dma_start3A_576, %dma_start3A_583] : memref<2x4x128xi32, #tpu.memory_space<vmem>> -> memref<1x1x128xi32, #tpu.memory_space<vmem>>
        %dma_start3A_585 = tpu.memref_squeeze %dma_start3A_584 : memref<1x1x128xi32, #tpu.memory_space<vmem>> -> memref<128xi32, #tpu.memory_space<vmem>>
        %dma_start3A_586 = arith.constant 0 : i32
        %dma_start3A_587 = arith.constant 0 : i32
        %dma_start3A_588 = tpu.memref_slice %arg3[%dma_start3A_586, %dma_start3A_587] : memref<100000x64xf32, #tpu.memory_space<hbm>> -> memref<100000x64xf32, #tpu.memory_space<hbm>>
        tpu.enqueue_indirect_dma source(%dma_start3A_588 : memref<100000x64xf32, #tpu.memory_space<hbm>>) target(%dma_start3A_582 : memref<128x64xf32, #tpu.memory_space<vmem>>) offsets(%dma_start3A_585 : memref<128xi32, #tpu.memory_space<vmem>>) semaphore(%arg11 : memref<!tpu.dma_semaphore, #tpu.memory_space<semaphore_mem>>)
        %dma_start3A_589 = arith.constant 1 : i32
        %dma_start3A_590 = arith.constant 2 : i32
        %dma_start3A_591 = arith.constant 1 : i32
        %dma_start3A_592 = arith.constant 2 : i32
        %dma_start3A_593 = arith.constant 0 : i32
        %dma_start3A_594 = arith.constant 0 : i32
        %dma_start3A_595 = tpu.memref_slice %arg6[%dma_start3A_591, %dma_start3A_592, %dma_start3A_593, %dma_start3A_594] : memref<2x4x128x64xf32, #tpu.memory_space<vmem>> -> memref<1x1x128x64xf32, #tpu.memory_space<vmem>>
        %dma_start3A_596 = tpu.memref_squeeze %dma_start3A_595 : memref<1x1x128x64xf32, #tpu.memory_space<vmem>> -> memref<128x64xf32, #tpu.memory_space<vmem>>
        %dma_start3A_597 = arith.constant 0 : i32
        %dma_start3A_598 = tpu.memref_slice %arg5[%dma_start3A_589, %dma_start3A_590, %dma_start3A_597] : memref<2x4x128xi32, #tpu.memory_space<vmem>> -> memref<1x1x128xi32, #tpu.memory_space<vmem>>
        %dma_start3A_599 = tpu.memref_squeeze %dma_start3A_598 : memref<1x1x128xi32, #tpu.memory_space<vmem>> -> memref<128xi32, #tpu.memory_space<vmem>>
        %dma_start3A_600 = arith.constant 0 : i32
        %dma_start3A_601 = arith.constant 0 : i32
        %dma_start3A_602 = tpu.memref_slice %arg3[%dma_start3A_600, %dma_start3A_601] : memref<100000x64xf32, #tpu.memory_space<hbm>> -> memref<100000x64xf32, #tpu.memory_space<hbm>>
        tpu.enqueue_indirect_dma source(%dma_start3A_602 : memref<100000x64xf32, #tpu.memory_space<hbm>>) target(%dma_start3A_596 : memref<128x64xf32, #tpu.memory_space<vmem>>) offsets(%dma_start3A_599 : memref<128xi32, #tpu.memory_space<vmem>>) semaphore(%arg11 : memref<!tpu.dma_semaphore, #tpu.memory_space<semaphore_mem>>)
        %dma_start3A_603 = arith.constant 1 : i32
        %dma_start3A_604 = arith.constant 3 : i32
        %dma_start3A_605 = arith.constant 1 : i32
        %dma_start3A_606 = arith.constant 3 : i32
        %dma_start3A_607 = arith.constant 0 : i32
        %dma_start3A_608 = arith.constant 0 : i32
        %dma_start3A_609 = tpu.memref_slice %arg6[%dma_start3A_605, %dma_start3A_606, %dma_start3A_607, %dma_start3A_608] : memref<2x4x128x64xf32, #tpu.memory_space<vmem>> -> memref<1x1x128x64xf32, #tpu.memory_space<vmem>>
        %dma_start3A_610 = tpu.memref_squeeze %dma_start3A_609 : memref<1x1x128x64xf32, #tpu.memory_space<vmem>> -> memref<128x64xf32, #tpu.memory_space<vmem>>
        %dma_start3A_611 = arith.constant 0 : i32
        %dma_start3A_612 = tpu.memref_slice %arg5[%dma_start3A_603, %dma_start3A_604, %dma_start3A_611] : memref<2x4x128xi32, #tpu.memory_space<vmem>> -> memref<1x1x128xi32, #tpu.memory_space<vmem>>
        %dma_start3A_613 = tpu.memref_squeeze %dma_start3A_612 : memref<1x1x128xi32, #tpu.memory_space<vmem>> -> memref<128xi32, #tpu.memory_space<vmem>>
        %dma_start3A_614 = arith.constant 0 : i32
        %dma_start3A_615 = arith.constant 0 : i32
        %dma_start3A_616 = tpu.memref_slice %arg3[%dma_start3A_614, %dma_start3A_615] : memref<100000x64xf32, #tpu.memory_space<hbm>> -> memref<100000x64xf32, #tpu.memory_space<hbm>>
        tpu.enqueue_indirect_dma source(%dma_start3A_616 : memref<100000x64xf32, #tpu.memory_space<hbm>>) target(%dma_start3A_610 : memref<128x64xf32, #tpu.memory_space<vmem>>) offsets(%dma_start3A_613 : memref<128xi32, #tpu.memory_space<vmem>>) semaphore(%arg11 : memref<!tpu.dma_semaphore, #tpu.memory_space<semaphore_mem>>)
      } else {
      }
      %dma_wait3A_346 = arith.constant 0 : i32
      %dma_wait3A_347 = arith.constant 0 : i32
      %dma_wait3A_348 = arith.constant 0 : i32
      %dma_wait3A_349 = arith.constant 0 : i32
      %dma_wait3A_350 = arith.constant 0 : i32
      %dma_wait3A_351 = arith.constant 0 : i32
      %dma_wait3A_352 = tpu.memref_slice %arg6[%dma_wait3A_348, %dma_wait3A_349, %dma_wait3A_350, %dma_wait3A_351] : memref<2x4x128x64xf32, #tpu.memory_space<vmem>> -> memref<1x1x128x64xf32, #tpu.memory_space<vmem>>
      %dma_wait3A_353 = tpu.memref_squeeze %dma_wait3A_352 : memref<1x1x128x64xf32, #tpu.memory_space<vmem>> -> memref<128x64xf32, #tpu.memory_space<vmem>>
      %dma_wait3A_354 = arith.constant 0 : i32
      %dma_wait3A_355 = tpu.memref_slice %arg5[%dma_wait3A_346, %dma_wait3A_347, %dma_wait3A_354] : memref<2x4x128xi32, #tpu.memory_space<vmem>> -> memref<1x1x128xi32, #tpu.memory_space<vmem>>
      %dma_wait3A_356 = tpu.memref_squeeze %dma_wait3A_355 : memref<1x1x128xi32, #tpu.memory_space<vmem>> -> memref<128xi32, #tpu.memory_space<vmem>>
      %dma_wait3A_357 = arith.constant 0 : i32
      %dma_wait3A_358 = arith.constant 0 : i32
      %dma_wait3A_359 = tpu.memref_slice %arg3[%dma_wait3A_357, %dma_wait3A_358] : memref<100000x64xf32, #tpu.memory_space<hbm>> -> memref<100000x64xf32, #tpu.memory_space<hbm>>
      tpu.wait_indirect_dma semaphore(%arg10 : memref<!tpu.dma_semaphore, #tpu.memory_space<semaphore_mem>>) src(%dma_wait3A_359 : memref<100000x64xf32, #tpu.memory_space<hbm>>) dst(%dma_wait3A_353 : memref<128x64xf32, #tpu.memory_space<vmem>>)
      %dma_wait3A_360 = arith.constant 0 : i32
      %dma_wait3A_361 = arith.constant 1 : i32
      %dma_wait3A_362 = arith.constant 0 : i32
      %dma_wait3A_363 = arith.constant 1 : i32
      %dma_wait3A_364 = arith.constant 0 : i32
      %dma_wait3A_365 = arith.constant 0 : i32
      %dma_wait3A_366 = tpu.memref_slice %arg6[%dma_wait3A_362, %dma_wait3A_363, %dma_wait3A_364, %dma_wait3A_365] : memref<2x4x128x64xf32, #tpu.memory_space<vmem>> -> memref<1x1x128x64xf32, #tpu.memory_space<vmem>>
      %dma_wait3A_367 = tpu.memref_squeeze %dma_wait3A_366 : memref<1x1x128x64xf32, #tpu.memory_space<vmem>> -> memref<128x64xf32, #tpu.memory_space<vmem>>
      %dma_wait3A_368 = arith.constant 0 : i32
      %dma_wait3A_369 = tpu.memref_slice %arg5[%dma_wait3A_360, %dma_wait3A_361, %dma_wait3A_368] : memref<2x4x128xi32, #tpu.memory_space<vmem>> -> memref<1x1x128xi32, #tpu.memory_space<vmem>>
      %dma_wait3A_370 = tpu.memref_squeeze %dma_wait3A_369 : memref<1x1x128xi32, #tpu.memory_space<vmem>> -> memref<128xi32, #tpu.memory_space<vmem>>
      %dma_wait3A_371 = arith.constant 0 : i32
      %dma_wait3A_372 = arith.constant 0 : i32
      %dma_wait3A_373 = tpu.memref_slice %arg3[%dma_wait3A_371, %dma_wait3A_372] : memref<100000x64xf32, #tpu.memory_space<hbm>> -> memref<100000x64xf32, #tpu.memory_space<hbm>>
      tpu.wait_indirect_dma semaphore(%arg10 : memref<!tpu.dma_semaphore, #tpu.memory_space<semaphore_mem>>) src(%dma_wait3A_373 : memref<100000x64xf32, #tpu.memory_space<hbm>>) dst(%dma_wait3A_367 : memref<128x64xf32, #tpu.memory_space<vmem>>)
      %dma_wait3A_374 = arith.constant 0 : i32
      %dma_wait3A_375 = arith.constant 2 : i32
      %dma_wait3A_376 = arith.constant 0 : i32
      %dma_wait3A_377 = arith.constant 2 : i32
      %dma_wait3A_378 = arith.constant 0 : i32
      %dma_wait3A_379 = arith.constant 0 : i32
      %dma_wait3A_380 = tpu.memref_slice %arg6[%dma_wait3A_376, %dma_wait3A_377, %dma_wait3A_378, %dma_wait3A_379] : memref<2x4x128x64xf32, #tpu.memory_space<vmem>> -> memref<1x1x128x64xf32, #tpu.memory_space<vmem>>
      %dma_wait3A_381 = tpu.memref_squeeze %dma_wait3A_380 : memref<1x1x128x64xf32, #tpu.memory_space<vmem>> -> memref<128x64xf32, #tpu.memory_space<vmem>>
      %dma_wait3A_382 = arith.constant 0 : i32
      %dma_wait3A_383 = tpu.memref_slice %arg5[%dma_wait3A_374, %dma_wait3A_375, %dma_wait3A_382] : memref<2x4x128xi32, #tpu.memory_space<vmem>> -> memref<1x1x128xi32, #tpu.memory_space<vmem>>
      %dma_wait3A_384 = tpu.memref_squeeze %dma_wait3A_383 : memref<1x1x128xi32, #tpu.memory_space<vmem>> -> memref<128xi32, #tpu.memory_space<vmem>>
      %dma_wait3A_385 = arith.constant 0 : i32
      %dma_wait3A_386 = arith.constant 0 : i32
      %dma_wait3A_387 = tpu.memref_slice %arg3[%dma_wait3A_385, %dma_wait3A_386] : memref<100000x64xf32, #tpu.memory_space<hbm>> -> memref<100000x64xf32, #tpu.memory_space<hbm>>
      tpu.wait_indirect_dma semaphore(%arg10 : memref<!tpu.dma_semaphore, #tpu.memory_space<semaphore_mem>>) src(%dma_wait3A_387 : memref<100000x64xf32, #tpu.memory_space<hbm>>) dst(%dma_wait3A_381 : memref<128x64xf32, #tpu.memory_space<vmem>>)
      %dma_wait3A_388 = arith.constant 0 : i32
      %dma_wait3A_389 = arith.constant 3 : i32
      %dma_wait3A_390 = arith.constant 0 : i32
      %dma_wait3A_391 = arith.constant 3 : i32
      %dma_wait3A_392 = arith.constant 0 : i32
      %dma_wait3A_393 = arith.constant 0 : i32
      %dma_wait3A_394 = tpu.memref_slice %arg6[%dma_wait3A_390, %dma_wait3A_391, %dma_wait3A_392, %dma_wait3A_393] : memref<2x4x128x64xf32, #tpu.memory_space<vmem>> -> memref<1x1x128x64xf32, #tpu.memory_space<vmem>>
      %dma_wait3A_395 = tpu.memref_squeeze %dma_wait3A_394 : memref<1x1x128x64xf32, #tpu.memory_space<vmem>> -> memref<128x64xf32, #tpu.memory_space<vmem>>
      %dma_wait3A_396 = arith.constant 0 : i32
      %dma_wait3A_397 = tpu.memref_slice %arg5[%dma_wait3A_388, %dma_wait3A_389, %dma_wait3A_396] : memref<2x4x128xi32, #tpu.memory_space<vmem>> -> memref<1x1x128xi32, #tpu.memory_space<vmem>>
      %dma_wait3A_398 = tpu.memref_squeeze %dma_wait3A_397 : memref<1x1x128xi32, #tpu.memory_space<vmem>> -> memref<128xi32, #tpu.memory_space<vmem>>
      %dma_wait3A_399 = arith.constant 0 : i32
      %dma_wait3A_400 = arith.constant 0 : i32
      %dma_wait3A_401 = tpu.memref_slice %arg3[%dma_wait3A_399, %dma_wait3A_400] : memref<100000x64xf32, #tpu.memory_space<hbm>> -> memref<100000x64xf32, #tpu.memory_space<hbm>>
      tpu.wait_indirect_dma semaphore(%arg10 : memref<!tpu.dma_semaphore, #tpu.memory_space<semaphore_mem>>) src(%dma_wait3A_401 : memref<100000x64xf32, #tpu.memory_space<hbm>>) dst(%dma_wait3A_395 : memref<128x64xf32, #tpu.memory_space<vmem>>)
      %add3A_402 = arith.constant 2 : i32
      %add3A_403 = arith.addi %add3A_340, %add3A_402 : i32
      %lt3A_404 = arith.constant 200 : i32
      %lt3A_405 = arith.cmpi slt, %add3A_403, %lt3A_404 : i32
      %convert_element_type3A_406 = arith.extui %lt3A_405 : i1 to i32
      %cond3A_407 = arith.constant 0 : i32
      %cond3A_408 = arith.cmpi ne, %convert_element_type3A_406, %cond3A_407 : i32
      scf.if %cond3A_408 {
        %add3A_546 = arith.constant 2 : i32
        %add3A_547 = arith.addi %add3A_340, %add3A_546 : i32
        %mul3A_548 = arith.constant 4 : i32
        %mul3A_549 = arith.muli %mul3A_548, %add3A_547 : i32
        %dma_start3A_550 = arith.constant 0 : i32
        %dma_start3A_551 = arith.constant 0 : i32
        %dma_start3A_552 = arith.constant 0 : i32
        %dma_start3A_553 = tpu.memref_slice %arg5[%dma_start3A_550, %dma_start3A_551, %dma_start3A_552] : memref<2x4x128xi32, #tpu.memory_space<vmem>> -> memref<1x4x128xi32, #tpu.memory_space<vmem>>
        %dma_start3A_554 = tpu.memref_squeeze %dma_start3A_553 : memref<1x4x128xi32, #tpu.memory_space<vmem>> -> memref<4x128xi32, #tpu.memory_space<vmem>>
        %dma_start3A_555 = tpu.memref_slice %arg2[%mul3A_549, %mul3A_2] : memref<800x4096xi32, #tpu.memory_space<hbm>> -> memref<4x128xi32, #tpu.memory_space<hbm>>
        %dma_start3A_556 = arith.constant 0 : i32
        %dma_start3A_557 = arith.constant 0 : i32
        %dma_start3A_558 = tpu.memref_slice %arg5[%dma_start3A_550, %dma_start3A_556, %dma_start3A_557] : memref<2x4x128xi32, #tpu.memory_space<vmem>> -> memref<1x4x128xi32, #tpu.memory_space<vmem>>
        %dma_start3A_559 = tpu.memref_squeeze %dma_start3A_558 : memref<1x4x128xi32, #tpu.memory_space<vmem>> -> memref<4x128xi32, #tpu.memory_space<vmem>>
        %dma_start3A_560 = tpu.memref_slice %arg2[%mul3A_549, %mul3A_2] : memref<800x4096xi32, #tpu.memory_space<hbm>> -> memref<4x128xi32, #tpu.memory_space<hbm>>
        tpu.enqueue_dma source(%dma_start3A_560 : memref<4x128xi32, #tpu.memory_space<hbm>>) target(%dma_start3A_559 : memref<4x128xi32, #tpu.memory_space<vmem>>) target_semaphore(%arg8 : memref<!tpu.dma_semaphore, #tpu.memory_space<semaphore_mem>>)
      } else {
      }
      %ge3A = arith.constant 2 : i32
      %ge3A_409 = arith.cmpi sge, %add3A_340, %ge3A : i32
      %convert_element_type3A_410 = arith.extui %ge3A_409 : i1 to i32
      %cond3A_411 = arith.constant 0 : i32
      %cond3A_412 = arith.cmpi ne, %convert_element_type3A_410, %cond3A_411 : i32
      scf.if %cond3A_412 {
        %sub3A_546 = arith.constant 2 : i32
        %sub3A_547 = arith.subi %add3A_340, %sub3A_546 : i32
        %dma_wait3A_548 = arith.constant 0 : i32
        %dma_wait3A_549 = arith.constant 0 : i32
        %dma_wait3A_550 = arith.constant 0 : i32
        %dma_wait3A_551 = arith.constant 0 : i32
        %dma_wait3A_552 = tpu.memref_slice %arg7[%dma_wait3A_548, %dma_wait3A_549, %dma_wait3A_550, %dma_wait3A_551] : memref<2x8x8x129xf32, #tpu.memory_space<vmem>> -> memref<1x8x8x128xf32, #tpu.memory_space<vmem>>
        %dma_wait3A_553 = tpu.memref_squeeze %dma_wait3A_552 : memref<1x8x8x128xf32, #tpu.memory_space<vmem>> -> memref<8x8x128xf32, #tpu.memory_space<vmem>>
        %dma_wait3A_554 = arith.constant 0 : i32
        %dma_wait3A_555 = arith.constant 0 : i32
        %dma_wait3A_556 = arith.constant 0 : i32
        %dma_wait3A_557 = tpu.memref_slice %arg4[%sub3A_547, %dma_wait3A_554, %add3A, %dma_wait3A_555, %dma_wait3A_556] : memref<200x8x32x8x128xf32, #tpu.memory_space<hbm>> -> memref<1x8x1x8x128xf32, #tpu.memory_space<hbm>>
        %dma_wait3A_558 = tpu.memref_squeeze %dma_wait3A_557 : memref<1x8x1x8x128xf32, #tpu.memory_space<hbm>> -> memref<8x8x128xf32, #tpu.memory_space<hbm>>
        %dma_wait3A_559 = arith.constant 0 : i32
        %dma_wait3A_560 = arith.constant 0 : i32
        %dma_wait3A_561 = arith.constant 0 : i32
        %dma_wait3A_562 = tpu.memref_slice %arg4[%sub3A_547, %dma_wait3A_559, %add3A, %dma_wait3A_560, %dma_wait3A_561] : memref<200x8x32x8x128xf32, #tpu.memory_space<hbm>> -> memref<1x8x1x8x128xf32, #tpu.memory_space<hbm>>
        %dma_wait3A_563 = tpu.memref_squeeze %dma_wait3A_562 : memref<1x8x1x8x128xf32, #tpu.memory_space<hbm>> -> memref<8x8x128xf32, #tpu.memory_space<hbm>>
        %dma_wait3A_564 = arith.constant 0 : i32
        %dma_wait3A_565 = arith.constant 0 : i32
        %dma_wait3A_566 = arith.constant 0 : i32
        %dma_wait3A_567 = tpu.memref_slice %arg7[%dma_wait3A_548, %dma_wait3A_564, %dma_wait3A_565, %dma_wait3A_566] : memref<2x8x8x129xf32, #tpu.memory_space<vmem>> -> memref<1x8x8x128xf32, #tpu.memory_space<vmem>>
        %dma_wait3A_568 = tpu.memref_squeeze %dma_wait3A_567 : memref<1x8x8x128xf32, #tpu.memory_space<vmem>> -> memref<8x8x128xf32, #tpu.memory_space<vmem>>
        tpu.wait_dma2 semaphore(%arg12 : memref<!tpu.dma_semaphore, #tpu.memory_space<semaphore_mem>>) src(%dma_wait3A_568 : memref<8x8x128xf32, #tpu.memory_space<vmem>>) dst(%dma_wait3A_563 : memref<8x8x128xf32, #tpu.memory_space<hbm>>)
      } else {
      }
      %scan3A_413 = arith.constant 0 : i32
      %scan3A_414 = arith.constant 0 : i32
      %scan3A_415 = arith.constant 128 : i32
      %scan3A_416 = arith.addi %scan3A_414, %scan3A_415 : i32
      %scan3A_417 = arith.constant 1 : i32
      scf.for %scan3A_546 = %scan3A_414 to %scan3A_416 step %scan3A_417  : i32 {
        %broadcast_in_dim3A = arith.constant 0 : i32
        %broadcast_in_dim3A_547 = vector.broadcast %broadcast_in_dim3A : i32 to vector<16xi32>
        %add3A_548 = vector.broadcast %scan3A_546 : i32 to vector<16xi32>
        %add3A_549 = arith.addi %broadcast_in_dim3A_547, %add3A_548 : vector<16xi32>
        %get3A = arith.constant 0 : i32
        %get3A_550 = arith.constant 0 : i32
        %get3A_551 = arith.index_cast %get3A : i32 to index
        %get3A_552 = arith.index_cast %get3A_550 : i32 to index
        %get3A_553 = arith.index_cast %scan3A_546 : i32 to index
        %get3A_554 = arith.constant 0 : index
        %get3A_555 = tpu.vector_load %arg6[%get3A_551, %get3A_552, %get3A_553, %get3A_554] {strides = array<i32>} : memref<2x4x128x64xf32, #tpu.memory_space<vmem>>, vector<16xf32>,
        %get3A_556 = arith.constant 0 : i32
        %get3A_557 = arith.constant 1 : i32
        %get3A_558 = arith.index_cast %get3A_556 : i32 to index
        %get3A_559 = arith.index_cast %get3A_557 : i32 to index
        %get3A_560 = arith.index_cast %scan3A_546 : i32 to index
        %get3A_561 = arith.constant 0 : index
        %get3A_562 = tpu.vector_load %arg6[%get3A_558, %get3A_559, %get3A_560, %get3A_561] {strides = array<i32>} : memref<2x4x128x64xf32, #tpu.memory_space<vmem>>, vector<16xf32>,
        %get3A_563 = arith.constant 0 : i32
        %get3A_564 = arith.constant 2 : i32
        %get3A_565 = arith.index_cast %get3A_563 : i32 to index
        %get3A_566 = arith.index_cast %get3A_564 : i32 to index
        %get3A_567 = arith.index_cast %scan3A_546 : i32 to index
        %get3A_568 = arith.constant 0 : index
        %get3A_569 = tpu.vector_load %arg6[%get3A_565, %get3A_566, %get3A_567, %get3A_568] {strides = array<i32>} : memref<2x4x128x64xf32, #tpu.memory_space<vmem>>, vector<16xf32>,
        %get3A_570 = arith.constant 0 : i32
        %get3A_571 = arith.constant 3 : i32
        %get3A_572 = arith.index_cast %get3A_570 : i32 to index
        %get3A_573 = arith.index_cast %get3A_571 : i32 to index
        %get3A_574 = arith.index_cast %scan3A_546 : i32 to index
        %get3A_575 = arith.constant 0 : index
        %get3A_576 = tpu.vector_load %arg6[%get3A_572, %get3A_573, %get3A_574, %get3A_575] {strides = array<i32>} : memref<2x4x128x64xf32, #tpu.memory_space<vmem>>, vector<16xf32>,
        %get3A_577 = arith.constant 0 : i32
        %get3A_578 = arith.constant 0 : i32
        %get3A_579 = arith.index_cast %get3A_577 : i32 to index
        %get3A_580 = arith.index_cast %get3A_578 : i32 to index
        %get3A_581 = arith.index_cast %scan3A_546 : i32 to index
        %get3A_582 = arith.constant 16 : index
        %get3A_583 = tpu.vector_load %arg6[%get3A_579, %get3A_580, %get3A_581, %get3A_582] {strides = array<i32>} : memref<2x4x128x64xf32, #tpu.memory_space<vmem>>, vector<16xf32>,
        %get3A_584 = arith.constant 0 : i32
        %get3A_585 = arith.constant 1 : i32
        %get3A_586 = arith.index_cast %get3A_584 : i32 to index
        %get3A_587 = arith.index_cast %get3A_585 : i32 to index
        %get3A_588 = arith.index_cast %scan3A_546 : i32 to index
        %get3A_589 = arith.constant 16 : index
        %get3A_590 = tpu.vector_load %arg6[%get3A_586, %get3A_587, %get3A_588, %get3A_589] {strides = array<i32>} : memref<2x4x128x64xf32, #tpu.memory_space<vmem>>, vector<16xf32>,
        %get3A_591 = arith.constant 0 : i32
        %get3A_592 = arith.constant 2 : i32
        %get3A_593 = arith.index_cast %get3A_591 : i32 to index
        %get3A_594 = arith.index_cast %get3A_592 : i32 to index
        %get3A_595 = arith.index_cast %scan3A_546 : i32 to index
        %get3A_596 = arith.constant 16 : index
        %get3A_597 = tpu.vector_load %arg6[%get3A_593, %get3A_594, %get3A_595, %get3A_596] {strides = array<i32>} : memref<2x4x128x64xf32, #tpu.memory_space<vmem>>, vector<16xf32>,
        %get3A_598 = arith.constant 0 : i32
        %get3A_599 = arith.constant 3 : i32
        %get3A_600 = arith.index_cast %get3A_598 : i32 to index
        %get3A_601 = arith.index_cast %get3A_599 : i32 to index
        %get3A_602 = arith.index_cast %scan3A_546 : i32 to index
        %get3A_603 = arith.constant 16 : index
        %get3A_604 = tpu.vector_load %arg6[%get3A_600, %get3A_601, %get3A_602, %get3A_603] {strides = array<i32>} : memref<2x4x128x64xf32, #tpu.memory_space<vmem>>, vector<16xf32>,
        %get3A_605 = arith.constant 0 : i32
        %get3A_606 = arith.constant 0 : i32
        %get3A_607 = arith.index_cast %get3A_605 : i32 to index
        %get3A_608 = arith.index_cast %get3A_606 : i32 to index
        %get3A_609 = arith.index_cast %scan3A_546 : i32 to index
        %get3A_610 = arith.constant 32 : index
        %get3A_611 = tpu.vector_load %arg6[%get3A_607, %get3A_608, %get3A_609, %get3A_610] {strides = array<i32>} : memref<2x4x128x64xf32, #tpu.memory_space<vmem>>, vector<16xf32>,
        %get3A_612 = arith.constant 0 : i32
        %get3A_613 = arith.constant 1 : i32
        %get3A_614 = arith.index_cast %get3A_612 : i32 to index
        %get3A_615 = arith.index_cast %get3A_613 : i32 to index
        %get3A_616 = arith.index_cast %scan3A_546 : i32 to index
        %get3A_617 = arith.constant 32 : index
        %get3A_618 = tpu.vector_load %arg6[%get3A_614, %get3A_615, %get3A_616, %get3A_617] {strides = array<i32>} : memref<2x4x128x64xf32, #tpu.memory_space<vmem>>, vector<16xf32>,
        %get3A_619 = arith.constant 0 : i32
        %get3A_620 = arith.constant 2 : i32
        %get3A_621 = arith.index_cast %get3A_619 : i32 to index
        %get3A_622 = arith.index_cast %get3A_620 : i32 to index
        %get3A_623 = arith.index_cast %scan3A_546 : i32 to index
        %get3A_624 = arith.constant 32 : index
        %get3A_625 = tpu.vector_load %arg6[%get3A_621, %get3A_622, %get3A_623, %get3A_624] {strides = array<i32>} : memref<2x4x128x64xf32, #tpu.memory_space<vmem>>, vector<16xf32>,
        %get3A_626 = arith.constant 0 : i32
        %get3A_627 = arith.constant 3 : i32
        %get3A_628 = arith.index_cast %get3A_626 : i32 to index
        %get3A_629 = arith.index_cast %get3A_627 : i32 to index
        %get3A_630 = arith.index_cast %scan3A_546 : i32 to index
        %get3A_631 = arith.constant 32 : index
        %get3A_632 = tpu.vector_load %arg6[%get3A_628, %get3A_629, %get3A_630, %get3A_631] {strides = array<i32>} : memref<2x4x128x64xf32, #tpu.memory_space<vmem>>, vector<16xf32>,
        %get3A_633 = arith.constant 0 : i32
        %get3A_634 = arith.constant 0 : i32
        %get3A_635 = arith.index_cast %get3A_633 : i32 to index
        %get3A_636 = arith.index_cast %get3A_634 : i32 to index
        %get3A_637 = arith.index_cast %scan3A_546 : i32 to index
        %get3A_638 = arith.constant 48 : index
        %get3A_639 = tpu.vector_load %arg6[%get3A_635, %get3A_636, %get3A_637, %get3A_638] {strides = array<i32>} : memref<2x4x128x64xf32, #tpu.memory_space<vmem>>, vector<16xf32>,
        %get3A_640 = arith.constant 0 : i32
        %get3A_641 = arith.constant 1 : i32
        %get3A_642 = arith.index_cast %get3A_640 : i32 to index
        %get3A_643 = arith.index_cast %get3A_641 : i32 to index
        %get3A_644 = arith.index_cast %scan3A_546 : i32 to index
        %get3A_645 = arith.constant 48 : index
        %get3A_646 = tpu.vector_load %arg6[%get3A_642, %get3A_643, %get3A_644, %get3A_645] {strides = array<i32>} : memref<2x4x128x64xf32, #tpu.memory_space<vmem>>, vector<16xf32>,
        %get3A_647 = arith.constant 0 : i32
        %get3A_648 = arith.constant 2 : i32
        %get3A_649 = arith.index_cast %get3A_647 : i32 to index
        %get3A_650 = arith.index_cast %get3A_648 : i32 to index
        %get3A_651 = arith.index_cast %scan3A_546 : i32 to index
        %get3A_652 = arith.constant 48 : index
        %get3A_653 = tpu.vector_load %arg6[%get3A_649, %get3A_650, %get3A_651, %get3A_652] {strides = array<i32>} : memref<2x4x128x64xf32, #tpu.memory_space<vmem>>, vector<16xf32>,
        %get3A_654 = arith.constant 0 : i32
        %get3A_655 = arith.constant 3 : i32
        %get3A_656 = arith.index_cast %get3A_654 : i32 to index
        %get3A_657 = arith.index_cast %get3A_655 : i32 to index
        %get3A_658 = arith.index_cast %scan3A_546 : i32 to index
        %get3A_659 = arith.constant 48 : index
        %get3A_660 = tpu.vector_load %arg6[%get3A_656, %get3A_657, %get3A_658, %get3A_659] {strides = array<i32>} : memref<2x4x128x64xf32, #tpu.memory_space<vmem>>, vector<16xf32>,
        %add3A_661 = arith.addf %get3A_555, %get3A_562 : vector<16xf32>
        %add3A_662 = arith.addf %get3A_569, %get3A_576 : vector<16xf32>
        %add3A_663 = arith.addf %add3A_661, %add3A_662 : vector<16xf32>
        %scatter3A = arith.constant 0 : i32
        %scatter3A_664 = arith.constant 0 : i32
        %scatter3A_665 = arith.constant 0 : i32
        %scatter3A_666 = arith.constant 0 : i32
        %scatter3A_667 = tpu.memref_slice %arg7[%scatter3A, %scatter3A_664, %scatter3A_665, %scatter3A_666] : memref<2x8x8x129xf32, #tpu.memory_space<vmem>> -> memref<1x8x8x129xf32, #tpu.memory_space<vmem>>
        %scatter3A_668 = tpu.memref_squeeze %scatter3A_667 : memref<1x8x8x129xf32, #tpu.memory_space<vmem>> -> memref<8x8x129xf32, #tpu.memory_space<vmem>>
        tpu.vector_store_idx %scatter3A_668[%select_n3A, %select_n3A_153, %add3A_549], %add3A_663 : memref<8x8x129xf32, #tpu.memory_space<vmem>>[vector<16xi32>, vector<16xi32>, vector<16xi32>], vector<16xf32>,
        %add3A_669 = arith.addf %get3A_583, %get3A_590 : vector<16xf32>
        %add3A_670 = arith.addf %get3A_597, %get3A_604 : vector<16xf32>
        %add3A_671 = arith.addf %add3A_669, %add3A_670 : vector<16xf32>
        %scatter3A_672 = arith.constant 0 : i32
        %scatter3A_673 = arith.constant 0 : i32
        %scatter3A_674 = arith.constant 0 : i32
        %scatter3A_675 = arith.constant 0 : i32
        %scatter3A_676 = tpu.memref_slice %arg7[%scatter3A_672, %scatter3A_673, %scatter3A_674, %scatter3A_675] : memref<2x8x8x129xf32, #tpu.memory_space<vmem>> -> memref<1x8x8x129xf32, #tpu.memory_space<vmem>>
        %scatter3A_677 = tpu.memref_squeeze %scatter3A_676 : memref<1x8x8x129xf32, #tpu.memory_space<vmem>> -> memref<8x8x129xf32, #tpu.memory_space<vmem>>
        tpu.vector_store_idx %scatter3A_677[%select_n3A_71, %select_n3A_175, %add3A_549], %add3A_671 : memref<8x8x129xf32, #tpu.memory_space<vmem>>[vector<16xi32>, vector<16xi32>, vector<16xi32>], vector<16xf32>,
        %add3A_678 = arith.addf %get3A_611, %get3A_618 : vector<16xf32>
        %add3A_679 = arith.addf %get3A_625, %get3A_632 : vector<16xf32>
        %add3A_680 = arith.addf %add3A_678, %add3A_679 : vector<16xf32>
        %scatter3A_681 = arith.constant 0 : i32
        %scatter3A_682 = arith.constant 0 : i32
        %scatter3A_683 = arith.constant 0 : i32
        %scatter3A_684 = arith.constant 0 : i32
        %scatter3A_685 = tpu.memref_slice %arg7[%scatter3A_681, %scatter3A_682, %scatter3A_683, %scatter3A_684] : memref<2x8x8x129xf32, #tpu.memory_space<vmem>> -> memref<1x8x8x129xf32, #tpu.memory_space<vmem>>
        %scatter3A_686 = tpu.memref_squeeze %scatter3A_685 : memref<1x8x8x129xf32, #tpu.memory_space<vmem>> -> memref<8x8x129xf32, #tpu.memory_space<vmem>>
        tpu.vector_store_idx %scatter3A_686[%select_n3A_102, %select_n3A_197, %add3A_549], %add3A_680 : memref<8x8x129xf32, #tpu.memory_space<vmem>>[vector<16xi32>, vector<16xi32>, vector<16xi32>], vector<16xf32>,
        %add3A_687 = arith.addf %get3A_639, %get3A_646 : vector<16xf32>
        %add3A_688 = arith.addf %get3A_653, %get3A_660 : vector<16xf32>
        %add3A_689 = arith.addf %add3A_687, %add3A_688 : vector<16xf32>
        %scatter3A_690 = arith.constant 0 : i32
        %scatter3A_691 = arith.constant 0 : i32
        %scatter3A_692 = arith.constant 0 : i32
        %scatter3A_693 = arith.constant 0 : i32
        %scatter3A_694 = tpu.memref_slice %arg7[%scatter3A_690, %scatter3A_691, %scatter3A_692, %scatter3A_693] : memref<2x8x8x129xf32, #tpu.memory_space<vmem>> -> memref<1x8x8x129xf32, #tpu.memory_space<vmem>>
        %scatter3A_695 = tpu.memref_squeeze %scatter3A_694 : memref<1x8x8x129xf32, #tpu.memory_space<vmem>> -> memref<8x8x129xf32, #tpu.memory_space<vmem>>
        tpu.vector_store_idx %scatter3A_695[%select_n3A_133, %select_n3A_219, %add3A_549], %add3A_689 : memref<8x8x129xf32, #tpu.memory_space<vmem>>[vector<16xi32>, vector<16xi32>, vector<16xi32>], vector<16xf32>,
      }
      %scan3A_418 = arith.constant 128 : i32
      %dma_start3A_419 = arith.constant 0 : i32
      %dma_start3A_420 = arith.constant 0 : i32
      %dma_start3A_421 = arith.constant 0 : i32
      %dma_start3A_422 = arith.constant 0 : i32
      %dma_start3A_423 = tpu.memref_slice %arg7[%dma_start3A_419, %dma_start3A_420, %dma_start3A_421, %dma_start3A_422] : memref<2x8x8x129xf32, #tpu.memory_space<vmem>> -> memref<1x8x8x128xf32, #tpu.memory_space<vmem>>
      %dma_start3A_424 = tpu.memref_squeeze %dma_start3A_423 : memref<1x8x8x128xf32, #tpu.memory_space<vmem>> -> memref<8x8x128xf32, #tpu.memory_space<vmem>>
      %dma_start3A_425 = arith.constant 0 : i32
      %dma_start3A_426 = arith.constant 0 : i32
      %dma_start3A_427 = arith.constant 0 : i32
      %dma_start3A_428 = tpu.memref_slice %arg4[%add3A_340, %dma_start3A_425, %add3A, %dma_start3A_426, %dma_start3A_427] : memref<200x8x32x8x128xf32, #tpu.memory_space<hbm>> -> memref<1x8x1x8x128xf32, #tpu.memory_space<hbm>>
      %dma_start3A_429 = tpu.memref_squeeze %dma_start3A_428 : memref<1x8x1x8x128xf32, #tpu.memory_space<hbm>> -> memref<8x8x128xf32, #tpu.memory_space<hbm>>
      %dma_start3A_430 = arith.constant 0 : i32
      %dma_start3A_431 = arith.constant 0 : i32
      %dma_start3A_432 = arith.constant 0 : i32
      %dma_start3A_433 = tpu.memref_slice %arg4[%add3A_340, %dma_start3A_430, %add3A, %dma_start3A_431, %dma_start3A_432] : memref<200x8x32x8x128xf32, #tpu.memory_space<hbm>> -> memref<1x8x1x8x128xf32, #tpu.memory_space<hbm>>
      %dma_start3A_434 = tpu.memref_squeeze %dma_start3A_433 : memref<1x8x1x8x128xf32, #tpu.memory_space<hbm>> -> memref<8x8x128xf32, #tpu.memory_space<hbm>>
      %dma_start3A_435 = arith.constant 0 : i32
      %dma_start3A_436 = arith.constant 0 : i32
      %dma_start3A_437 = arith.constant 0 : i32
      %dma_start3A_438 = tpu.memref_slice %arg7[%dma_start3A_419, %dma_start3A_435, %dma_start3A_436, %dma_start3A_437] : memref<2x8x8x129xf32, #tpu.memory_space<vmem>> -> memref<1x8x8x128xf32, #tpu.memory_space<vmem>>
      %dma_start3A_439 = tpu.memref_squeeze %dma_start3A_438 : memref<1x8x8x128xf32, #tpu.memory_space<vmem>> -> memref<8x8x128xf32, #tpu.memory_space<vmem>>
      tpu.enqueue_dma source(%dma_start3A_439 : memref<8x8x128xf32, #tpu.memory_space<vmem>>) target(%dma_start3A_434 : memref<8x8x128xf32, #tpu.memory_space<hbm>>) target_semaphore(%arg12 : memref<!tpu.dma_semaphore, #tpu.memory_space<semaphore_mem>>)
      %mul3A_440 = arith.constant 2 : i32
      %mul3A_441 = arith.muli %mul3A_440, %scan3A_336 : i32
      %add3A_442 = arith.constant 1 : i32
      %add3A_443 = arith.addi %mul3A_441, %add3A_442 : i32
      %add3A_444 = arith.constant 1 : i32
      %add3A_445 = arith.addi %add3A_443, %add3A_444 : i32
      %lt3A_446 = arith.constant 200 : i32
      %lt3A_447 = arith.cmpi slt, %add3A_445, %lt3A_446 : i32
      %convert_element_type3A_448 = arith.extui %lt3A_447 : i1 to i32
      %cond3A_449 = arith.constant 0 : i32
      %cond3A_450 = arith.cmpi ne, %convert_element_type3A_448, %cond3A_449 : i32
      scf.if %cond3A_450 {
        %add3A_546 = arith.constant 1 : i32
        %add3A_547 = arith.addi %add3A_443, %add3A_546 : i32
        %mul3A_548 = arith.constant 4 : i32
        %mul3A_549 = arith.muli %mul3A_548, %add3A_547 : i32
        %dma_wait3A_550 = arith.constant 0 : i32
        %dma_wait3A_551 = arith.constant 0 : i32
        %dma_wait3A_552 = arith.constant 0 : i32
        %dma_wait3A_553 = tpu.memref_slice %arg5[%dma_wait3A_550, %dma_wait3A_551, %dma_wait3A_552] : memref<2x4x128xi32, #tpu.memory_space<vmem>> -> memref<1x4x128xi32, #tpu.memory_space<vmem>>
        %dma_wait3A_554 = tpu.memref_squeeze %dma_wait3A_553 : memref<1x4x128xi32, #tpu.memory_space<vmem>> -> memref<4x128xi32, #tpu.memory_space<vmem>>
        %dma_wait3A_555 = tpu.memref_slice %arg2[%mul3A_549, %mul3A_2] : memref<800x4096xi32, #tpu.memory_space<hbm>> -> memref<4x128xi32, #tpu.memory_space<hbm>>
        %dma_wait3A_556 = arith.constant 0 : i32
        %dma_wait3A_557 = arith.constant 0 : i32
        %dma_wait3A_558 = tpu.memref_slice %arg5[%dma_wait3A_550, %dma_wait3A_556, %dma_wait3A_557] : memref<2x4x128xi32, #tpu.memory_space<vmem>> -> memref<1x4x128xi32, #tpu.memory_space<vmem>>
        %dma_wait3A_559 = tpu.memref_squeeze %dma_wait3A_558 : memref<1x4x128xi32, #tpu.memory_space<vmem>> -> memref<4x128xi32, #tpu.memory_space<vmem>>
        %dma_wait3A_560 = tpu.memref_slice %arg2[%mul3A_549, %mul3A_2] : memref<800x4096xi32, #tpu.memory_space<hbm>> -> memref<4x128xi32, #tpu.memory_space<hbm>>
        tpu.wait_dma2 semaphore(%arg8 : memref<!tpu.dma_semaphore, #tpu.memory_space<semaphore_mem>>) src(%dma_wait3A_560 : memref<4x128xi32, #tpu.memory_space<hbm>>) dst(%dma_wait3A_559 : memref<4x128xi32, #tpu.memory_space<vmem>>)
        %dma_start3A_561 = arith.constant 0 : i32
        %dma_start3A_562 = arith.constant 0 : i32
        %dma_start3A_563 = arith.constant 0 : i32
        %dma_start3A_564 = arith.constant 0 : i32
        %dma_start3A_565 = arith.constant 0 : i32
        %dma_start3A_566 = arith.constant 0 : i32
        %dma_start3A_567 = tpu.memref_slice %arg6[%dma_start3A_563, %dma_start3A_564, %dma_start3A_565, %dma_start3A_566] : memref<2x4x128x64xf32, #tpu.memory_space<vmem>> -> memref<1x1x128x64xf32, #tpu.memory_space<vmem>>
        %dma_start3A_568 = tpu.memref_squeeze %dma_start3A_567 : memref<1x1x128x64xf32, #tpu.memory_space<vmem>> -> memref<128x64xf32, #tpu.memory_space<vmem>>
        %dma_start3A_569 = arith.constant 0 : i32
        %dma_start3A_570 = tpu.memref_slice %arg5[%dma_start3A_561, %dma_start3A_562, %dma_start3A_569] : memref<2x4x128xi32, #tpu.memory_space<vmem>> -> memref<1x1x128xi32, #tpu.memory_space<vmem>>
        %dma_start3A_571 = tpu.memref_squeeze %dma_start3A_570 : memref<1x1x128xi32, #tpu.memory_space<vmem>> -> memref<128xi32, #tpu.memory_space<vmem>>
        %dma_start3A_572 = arith.constant 0 : i32
        %dma_start3A_573 = arith.constant 0 : i32
        %dma_start3A_574 = tpu.memref_slice %arg3[%dma_start3A_572, %dma_start3A_573] : memref<100000x64xf32, #tpu.memory_space<hbm>> -> memref<100000x64xf32, #tpu.memory_space<hbm>>
        tpu.enqueue_indirect_dma source(%dma_start3A_574 : memref<100000x64xf32, #tpu.memory_space<hbm>>) target(%dma_start3A_568 : memref<128x64xf32, #tpu.memory_space<vmem>>) offsets(%dma_start3A_571 : memref<128xi32, #tpu.memory_space<vmem>>) semaphore(%arg10 : memref<!tpu.dma_semaphore, #tpu.memory_space<semaphore_mem>>)
        %dma_start3A_575 = arith.constant 0 : i32
        %dma_start3A_576 = arith.constant 1 : i32
        %dma_start3A_577 = arith.constant 0 : i32
        %dma_start3A_578 = arith.constant 1 : i32
        %dma_start3A_579 = arith.constant 0 : i32
        %dma_start3A_580 = arith.constant 0 : i32
        %dma_start3A_581 = tpu.memref_slice %arg6[%dma_start3A_577, %dma_start3A_578, %dma_start3A_579, %dma_start3A_580] : memref<2x4x128x64xf32, #tpu.memory_space<vmem>> -> memref<1x1x128x64xf32, #tpu.memory_space<vmem>>
        %dma_start3A_582 = tpu.memref_squeeze %dma_start3A_581 : memref<1x1x128x64xf32, #tpu.memory_space<vmem>> -> memref<128x64xf32, #tpu.memory_space<vmem>>
        %dma_start3A_583 = arith.constant 0 : i32
        %dma_start3A_584 = tpu.memref_slice %arg5[%dma_start3A_575, %dma_start3A_576, %dma_start3A_583] : memref<2x4x128xi32, #tpu.memory_space<vmem>> -> memref<1x1x128xi32, #tpu.memory_space<vmem>>
        %dma_start3A_585 = tpu.memref_squeeze %dma_start3A_584 : memref<1x1x128xi32, #tpu.memory_space<vmem>> -> memref<128xi32, #tpu.memory_space<vmem>>
        %dma_start3A_586 = arith.constant 0 : i32
        %dma_start3A_587 = arith.constant 0 : i32
        %dma_start3A_588 = tpu.memref_slice %arg3[%dma_start3A_586, %dma_start3A_587] : memref<100000x64xf32, #tpu.memory_space<hbm>> -> memref<100000x64xf32, #tpu.memory_space<hbm>>
        tpu.enqueue_indirect_dma source(%dma_start3A_588 : memref<100000x64xf32, #tpu.memory_space<hbm>>) target(%dma_start3A_582 : memref<128x64xf32, #tpu.memory_space<vmem>>) offsets(%dma_start3A_585 : memref<128xi32, #tpu.memory_space<vmem>>) semaphore(%arg10 : memref<!tpu.dma_semaphore, #tpu.memory_space<semaphore_mem>>)
        %dma_start3A_589 = arith.constant 0 : i32
        %dma_start3A_590 = arith.constant 2 : i32
        %dma_start3A_591 = arith.constant 0 : i32
        %dma_start3A_592 = arith.constant 2 : i32
        %dma_start3A_593 = arith.constant 0 : i32
        %dma_start3A_594 = arith.constant 0 : i32
        %dma_start3A_595 = tpu.memref_slice %arg6[%dma_start3A_591, %dma_start3A_592, %dma_start3A_593, %dma_start3A_594] : memref<2x4x128x64xf32, #tpu.memory_space<vmem>> -> memref<1x1x128x64xf32, #tpu.memory_space<vmem>>
        %dma_start3A_596 = tpu.memref_squeeze %dma_start3A_595 : memref<1x1x128x64xf32, #tpu.memory_space<vmem>> -> memref<128x64xf32, #tpu.memory_space<vmem>>
        %dma_start3A_597 = arith.constant 0 : i32
        %dma_start3A_598 = tpu.memref_slice %arg5[%dma_start3A_589, %dma_start3A_590, %dma_start3A_597] : memref<2x4x128xi32, #tpu.memory_space<vmem>> -> memref<1x1x128xi32, #tpu.memory_space<vmem>>
        %dma_start3A_599 = tpu.memref_squeeze %dma_start3A_598 : memref<1x1x128xi32, #tpu.memory_space<vmem>> -> memref<128xi32, #tpu.memory_space<vmem>>
        %dma_start3A_600 = arith.constant 0 : i32
        %dma_start3A_601 = arith.constant 0 : i32
        %dma_start3A_602 = tpu.memref_slice %arg3[%dma_start3A_600, %dma_start3A_601] : memref<100000x64xf32, #tpu.memory_space<hbm>> -> memref<100000x64xf32, #tpu.memory_space<hbm>>
        tpu.enqueue_indirect_dma source(%dma_start3A_602 : memref<100000x64xf32, #tpu.memory_space<hbm>>) target(%dma_start3A_596 : memref<128x64xf32, #tpu.memory_space<vmem>>) offsets(%dma_start3A_599 : memref<128xi32, #tpu.memory_space<vmem>>) semaphore(%arg10 : memref<!tpu.dma_semaphore, #tpu.memory_space<semaphore_mem>>)
        %dma_start3A_603 = arith.constant 0 : i32
        %dma_start3A_604 = arith.constant 3 : i32
        %dma_start3A_605 = arith.constant 0 : i32
        %dma_start3A_606 = arith.constant 3 : i32
        %dma_start3A_607 = arith.constant 0 : i32
        %dma_start3A_608 = arith.constant 0 : i32
        %dma_start3A_609 = tpu.memref_slice %arg6[%dma_start3A_605, %dma_start3A_606, %dma_start3A_607, %dma_start3A_608] : memref<2x4x128x64xf32, #tpu.memory_space<vmem>> -> memref<1x1x128x64xf32, #tpu.memory_space<vmem>>
        %dma_start3A_610 = tpu.memref_squeeze %dma_start3A_609 : memref<1x1x128x64xf32, #tpu.memory_space<vmem>> -> memref<128x64xf32, #tpu.memory_space<vmem>>
        %dma_start3A_611 = arith.constant 0 : i32
        %dma_start3A_612 = tpu.memref_slice %arg5[%dma_start3A_603, %dma_start3A_604, %dma_start3A_611] : memref<2x4x128xi32, #tpu.memory_space<vmem>> -> memref<1x1x128xi32, #tpu.memory_space<vmem>>
        %dma_start3A_613 = tpu.memref_squeeze %dma_start3A_612 : memref<1x1x128xi32, #tpu.memory_space<vmem>> -> memref<128xi32, #tpu.memory_space<vmem>>
        %dma_start3A_614 = arith.constant 0 : i32
        %dma_start3A_615 = arith.constant 0 : i32
        %dma_start3A_616 = tpu.memref_slice %arg3[%dma_start3A_614, %dma_start3A_615] : memref<100000x64xf32, #tpu.memory_space<hbm>> -> memref<100000x64xf32, #tpu.memory_space<hbm>>
        tpu.enqueue_indirect_dma source(%dma_start3A_616 : memref<100000x64xf32, #tpu.memory_space<hbm>>) target(%dma_start3A_610 : memref<128x64xf32, #tpu.memory_space<vmem>>) offsets(%dma_start3A_613 : memref<128xi32, #tpu.memory_space<vmem>>) semaphore(%arg10 : memref<!tpu.dma_semaphore, #tpu.memory_space<semaphore_mem>>)
      } else {
      }
      %dma_wait3A_451 = arith.constant 1 : i32
      %dma_wait3A_452 = arith.constant 0 : i32
      %dma_wait3A_453 = arith.constant 1 : i32
      %dma_wait3A_454 = arith.constant 0 : i32
      %dma_wait3A_455 = arith.constant 0 : i32
      %dma_wait3A_456 = arith.constant 0 : i32
      %dma_wait3A_457 = tpu.memref_slice %arg6[%dma_wait3A_453, %dma_wait3A_454, %dma_wait3A_455, %dma_wait3A_456] : memref<2x4x128x64xf32, #tpu.memory_space<vmem>> -> memref<1x1x128x64xf32, #tpu.memory_space<vmem>>
      %dma_wait3A_458 = tpu.memref_squeeze %dma_wait3A_457 : memref<1x1x128x64xf32, #tpu.memory_space<vmem>> -> memref<128x64xf32, #tpu.memory_space<vmem>>
      %dma_wait3A_459 = arith.constant 0 : i32
      %dma_wait3A_460 = tpu.memref_slice %arg5[%dma_wait3A_451, %dma_wait3A_452, %dma_wait3A_459] : memref<2x4x128xi32, #tpu.memory_space<vmem>> -> memref<1x1x128xi32, #tpu.memory_space<vmem>>
      %dma_wait3A_461 = tpu.memref_squeeze %dma_wait3A_460 : memref<1x1x128xi32, #tpu.memory_space<vmem>> -> memref<128xi32, #tpu.memory_space<vmem>>
      %dma_wait3A_462 = arith.constant 0 : i32
      %dma_wait3A_463 = arith.constant 0 : i32
      %dma_wait3A_464 = tpu.memref_slice %arg3[%dma_wait3A_462, %dma_wait3A_463] : memref<100000x64xf32, #tpu.memory_space<hbm>> -> memref<100000x64xf32, #tpu.memory_space<hbm>>
      tpu.wait_indirect_dma semaphore(%arg11 : memref<!tpu.dma_semaphore, #tpu.memory_space<semaphore_mem>>) src(%dma_wait3A_464 : memref<100000x64xf32, #tpu.memory_space<hbm>>) dst(%dma_wait3A_458 : memref<128x64xf32, #tpu.memory_space<vmem>>)
      %dma_wait3A_465 = arith.constant 1 : i32
      %dma_wait3A_466 = arith.constant 1 : i32
      %dma_wait3A_467 = arith.constant 1 : i32
      %dma_wait3A_468 = arith.constant 1 : i32
      %dma_wait3A_469 = arith.constant 0 : i32
      %dma_wait3A_470 = arith.constant 0 : i32
      %dma_wait3A_471 = tpu.memref_slice %arg6[%dma_wait3A_467, %dma_wait3A_468, %dma_wait3A_469, %dma_wait3A_470] : memref<2x4x128x64xf32, #tpu.memory_space<vmem>> -> memref<1x1x128x64xf32, #tpu.memory_space<vmem>>
      %dma_wait3A_472 = tpu.memref_squeeze %dma_wait3A_471 : memref<1x1x128x64xf32, #tpu.memory_space<vmem>> -> memref<128x64xf32, #tpu.memory_space<vmem>>
      %dma_wait3A_473 = arith.constant 0 : i32
      %dma_wait3A_474 = tpu.memref_slice %arg5[%dma_wait3A_465, %dma_wait3A_466, %dma_wait3A_473] : memref<2x4x128xi32, #tpu.memory_space<vmem>> -> memref<1x1x128xi32, #tpu.memory_space<vmem>>
      %dma_wait3A_475 = tpu.memref_squeeze %dma_wait3A_474 : memref<1x1x128xi32, #tpu.memory_space<vmem>> -> memref<128xi32, #tpu.memory_space<vmem>>
      %dma_wait3A_476 = arith.constant 0 : i32
      %dma_wait3A_477 = arith.constant 0 : i32
      %dma_wait3A_478 = tpu.memref_slice %arg3[%dma_wait3A_476, %dma_wait3A_477] : memref<100000x64xf32, #tpu.memory_space<hbm>> -> memref<100000x64xf32, #tpu.memory_space<hbm>>
      tpu.wait_indirect_dma semaphore(%arg11 : memref<!tpu.dma_semaphore, #tpu.memory_space<semaphore_mem>>) src(%dma_wait3A_478 : memref<100000x64xf32, #tpu.memory_space<hbm>>) dst(%dma_wait3A_472 : memref<128x64xf32, #tpu.memory_space<vmem>>)
      %dma_wait3A_479 = arith.constant 1 : i32
      %dma_wait3A_480 = arith.constant 2 : i32
      %dma_wait3A_481 = arith.constant 1 : i32
      %dma_wait3A_482 = arith.constant 2 : i32
      %dma_wait3A_483 = arith.constant 0 : i32
      %dma_wait3A_484 = arith.constant 0 : i32
      %dma_wait3A_485 = tpu.memref_slice %arg6[%dma_wait3A_481, %dma_wait3A_482, %dma_wait3A_483, %dma_wait3A_484] : memref<2x4x128x64xf32, #tpu.memory_space<vmem>> -> memref<1x1x128x64xf32, #tpu.memory_space<vmem>>
      %dma_wait3A_486 = tpu.memref_squeeze %dma_wait3A_485 : memref<1x1x128x64xf32, #tpu.memory_space<vmem>> -> memref<128x64xf32, #tpu.memory_space<vmem>>
      %dma_wait3A_487 = arith.constant 0 : i32
      %dma_wait3A_488 = tpu.memref_slice %arg5[%dma_wait3A_479, %dma_wait3A_480, %dma_wait3A_487] : memref<2x4x128xi32, #tpu.memory_space<vmem>> -> memref<1x1x128xi32, #tpu.memory_space<vmem>>
      %dma_wait3A_489 = tpu.memref_squeeze %dma_wait3A_488 : memref<1x1x128xi32, #tpu.memory_space<vmem>> -> memref<128xi32, #tpu.memory_space<vmem>>
      %dma_wait3A_490 = arith.constant 0 : i32
      %dma_wait3A_491 = arith.constant 0 : i32
      %dma_wait3A_492 = tpu.memref_slice %arg3[%dma_wait3A_490, %dma_wait3A_491] : memref<100000x64xf32, #tpu.memory_space<hbm>> -> memref<100000x64xf32, #tpu.memory_space<hbm>>
      tpu.wait_indirect_dma semaphore(%arg11 : memref<!tpu.dma_semaphore, #tpu.memory_space<semaphore_mem>>) src(%dma_wait3A_492 : memref<100000x64xf32, #tpu.memory_space<hbm>>) dst(%dma_wait3A_486 : memref<128x64xf32, #tpu.memory_space<vmem>>)
      %dma_wait3A_493 = arith.constant 1 : i32
      %dma_wait3A_494 = arith.constant 3 : i32
      %dma_wait3A_495 = arith.constant 1 : i32
      %dma_wait3A_496 = arith.constant 3 : i32
      %dma_wait3A_497 = arith.constant 0 : i32
      %dma_wait3A_498 = arith.constant 0 : i32
      %dma_wait3A_499 = tpu.memref_slice %arg6[%dma_wait3A_495, %dma_wait3A_496, %dma_wait3A_497, %dma_wait3A_498] : memref<2x4x128x64xf32, #tpu.memory_space<vmem>> -> memref<1x1x128x64xf32, #tpu.memory_space<vmem>>
      %dma_wait3A_500 = tpu.memref_squeeze %dma_wait3A_499 : memref<1x1x128x64xf32, #tpu.memory_space<vmem>> -> memref<128x64xf32, #tpu.memory_space<vmem>>
      %dma_wait3A_501 = arith.constant 0 : i32
      %dma_wait3A_502 = tpu.memref_slice %arg5[%dma_wait3A_493, %dma_wait3A_494, %dma_wait3A_501] : memref<2x4x128xi32, #tpu.memory_space<vmem>> -> memref<1x1x128xi32, #tpu.memory_space<vmem>>
      %dma_wait3A_503 = tpu.memref_squeeze %dma_wait3A_502 : memref<1x1x128xi32, #tpu.memory_space<vmem>> -> memref<128xi32, #tpu.memory_space<vmem>>
      %dma_wait3A_504 = arith.constant 0 : i32
      %dma_wait3A_505 = arith.constant 0 : i32
      %dma_wait3A_506 = tpu.memref_slice %arg3[%dma_wait3A_504, %dma_wait3A_505] : memref<100000x64xf32, #tpu.memory_space<hbm>> -> memref<100000x64xf32, #tpu.memory_space<hbm>>
      tpu.wait_indirect_dma semaphore(%arg11 : memref<!tpu.dma_semaphore, #tpu.memory_space<semaphore_mem>>) src(%dma_wait3A_506 : memref<100000x64xf32, #tpu.memory_space<hbm>>) dst(%dma_wait3A_500 : memref<128x64xf32, #tpu.memory_space<vmem>>)
      %add3A_507 = arith.constant 2 : i32
      %add3A_508 = arith.addi %add3A_443, %add3A_507 : i32
      %lt3A_509 = arith.constant 200 : i32
      %lt3A_510 = arith.cmpi slt, %add3A_508, %lt3A_509 : i32
      %convert_element_type3A_511 = arith.extui %lt3A_510 : i1 to i32
      %cond3A_512 = arith.constant 0 : i32
      %cond3A_513 = arith.cmpi ne, %convert_element_type3A_511, %cond3A_512 : i32
      scf.if %cond3A_513 {
        %add3A_546 = arith.constant 2 : i32
        %add3A_547 = arith.addi %add3A_443, %add3A_546 : i32
        %mul3A_548 = arith.constant 4 : i32
        %mul3A_549 = arith.muli %mul3A_548, %add3A_547 : i32
        %dma_start3A_550 = arith.constant 1 : i32
        %dma_start3A_551 = arith.constant 0 : i32
        %dma_start3A_552 = arith.constant 0 : i32
        %dma_start3A_553 = tpu.memref_slice %arg5[%dma_start3A_550, %dma_start3A_551, %dma_start3A_552] : memref<2x4x128xi32, #tpu.memory_space<vmem>> -> memref<1x4x128xi32, #tpu.memory_space<vmem>>
        %dma_start3A_554 = tpu.memref_squeeze %dma_start3A_553 : memref<1x4x128xi32, #tpu.memory_space<vmem>> -> memref<4x128xi32, #tpu.memory_space<vmem>>
        %dma_start3A_555 = tpu.memref_slice %arg2[%mul3A_549, %mul3A_2] : memref<800x4096xi32, #tpu.memory_space<hbm>> -> memref<4x128xi32, #tpu.memory_space<hbm>>
        %dma_start3A_556 = arith.constant 0 : i32
        %dma_start3A_557 = arith.constant 0 : i32
        %dma_start3A_558 = tpu.memref_slice %arg5[%dma_start3A_550, %dma_start3A_556, %dma_start3A_557] : memref<2x4x128xi32, #tpu.memory_space<vmem>> -> memref<1x4x128xi32, #tpu.memory_space<vmem>>
        %dma_start3A_559 = tpu.memref_squeeze %dma_start3A_558 : memref<1x4x128xi32, #tpu.memory_space<vmem>> -> memref<4x128xi32, #tpu.memory_space<vmem>>
        %dma_start3A_560 = tpu.memref_slice %arg2[%mul3A_549, %mul3A_2] : memref<800x4096xi32, #tpu.memory_space<hbm>> -> memref<4x128xi32, #tpu.memory_space<hbm>>
        tpu.enqueue_dma source(%dma_start3A_560 : memref<4x128xi32, #tpu.memory_space<hbm>>) target(%dma_start3A_559 : memref<4x128xi32, #tpu.memory_space<vmem>>) target_semaphore(%arg9 : memref<!tpu.dma_semaphore, #tpu.memory_space<semaphore_mem>>)
      } else {
      }
      %ge3A_514 = arith.constant 2 : i32
      %ge3A_515 = arith.cmpi sge, %add3A_443, %ge3A_514 : i32
      %convert_element_type3A_516 = arith.extui %ge3A_515 : i1 to i32
      %cond3A_517 = arith.constant 0 : i32
      %cond3A_518 = arith.cmpi ne, %convert_element_type3A_516, %cond3A_517 : i32
      scf.if %cond3A_518 {
        %sub3A_546 = arith.constant 2 : i32
        %sub3A_547 = arith.subi %add3A_443, %sub3A_546 : i32
        %dma_wait3A_548 = arith.constant 1 : i32
        %dma_wait3A_549 = arith.constant 0 : i32
        %dma_wait3A_550 = arith.constant 0 : i32
        %dma_wait3A_551 = arith.constant 0 : i32
        %dma_wait3A_552 = tpu.memref_slice %arg7[%dma_wait3A_548, %dma_wait3A_549, %dma_wait3A_550, %dma_wait3A_551] : memref<2x8x8x129xf32, #tpu.memory_space<vmem>> -> memref<1x8x8x128xf32, #tpu.memory_space<vmem>>
        %dma_wait3A_553 = tpu.memref_squeeze %dma_wait3A_552 : memref<1x8x8x128xf32, #tpu.memory_space<vmem>> -> memref<8x8x128xf32, #tpu.memory_space<vmem>>
        %dma_wait3A_554 = arith.constant 0 : i32
        %dma_wait3A_555 = arith.constant 0 : i32
        %dma_wait3A_556 = arith.constant 0 : i32
        %dma_wait3A_557 = tpu.memref_slice %arg4[%sub3A_547, %dma_wait3A_554, %add3A, %dma_wait3A_555, %dma_wait3A_556] : memref<200x8x32x8x128xf32, #tpu.memory_space<hbm>> -> memref<1x8x1x8x128xf32, #tpu.memory_space<hbm>>
        %dma_wait3A_558 = tpu.memref_squeeze %dma_wait3A_557 : memref<1x8x1x8x128xf32, #tpu.memory_space<hbm>> -> memref<8x8x128xf32, #tpu.memory_space<hbm>>
        %dma_wait3A_559 = arith.constant 0 : i32
        %dma_wait3A_560 = arith.constant 0 : i32
        %dma_wait3A_561 = arith.constant 0 : i32
        %dma_wait3A_562 = tpu.memref_slice %arg4[%sub3A_547, %dma_wait3A_559, %add3A, %dma_wait3A_560, %dma_wait3A_561] : memref<200x8x32x8x128xf32, #tpu.memory_space<hbm>> -> memref<1x8x1x8x128xf32, #tpu.memory_space<hbm>>
        %dma_wait3A_563 = tpu.memref_squeeze %dma_wait3A_562 : memref<1x8x1x8x128xf32, #tpu.memory_space<hbm>> -> memref<8x8x128xf32, #tpu.memory_space<hbm>>
        %dma_wait3A_564 = arith.constant 0 : i32
        %dma_wait3A_565 = arith.constant 0 : i32
        %dma_wait3A_566 = arith.constant 0 : i32
        %dma_wait3A_567 = tpu.memref_slice %arg7[%dma_wait3A_548, %dma_wait3A_564, %dma_wait3A_565, %dma_wait3A_566] : memref<2x8x8x129xf32, #tpu.memory_space<vmem>> -> memref<1x8x8x128xf32, #tpu.memory_space<vmem>>
        %dma_wait3A_568 = tpu.memref_squeeze %dma_wait3A_567 : memref<1x8x8x128xf32, #tpu.memory_space<vmem>> -> memref<8x8x128xf32, #tpu.memory_space<vmem>>
        tpu.wait_dma2 semaphore(%arg13 : memref<!tpu.dma_semaphore, #tpu.memory_space<semaphore_mem>>) src(%dma_wait3A_568 : memref<8x8x128xf32, #tpu.memory_space<vmem>>) dst(%dma_wait3A_563 : memref<8x8x128xf32, #tpu.memory_space<hbm>>)
      } else {
      }
      %scan3A_519 = arith.constant 0 : i32
      %scan3A_520 = arith.constant 0 : i32
      %scan3A_521 = arith.constant 128 : i32
      %scan3A_522 = arith.addi %scan3A_520, %scan3A_521 : i32
      %scan3A_523 = arith.constant 1 : i32
      scf.for %scan3A_546 = %scan3A_520 to %scan3A_522 step %scan3A_523  : i32 {
        %broadcast_in_dim3A = arith.constant 0 : i32
        %broadcast_in_dim3A_547 = vector.broadcast %broadcast_in_dim3A : i32 to vector<16xi32>
        %add3A_548 = vector.broadcast %scan3A_546 : i32 to vector<16xi32>
        %add3A_549 = arith.addi %broadcast_in_dim3A_547, %add3A_548 : vector<16xi32>
        %get3A = arith.constant 1 : i32
        %get3A_550 = arith.constant 0 : i32
        %get3A_551 = arith.index_cast %get3A : i32 to index
        %get3A_552 = arith.index_cast %get3A_550 : i32 to index
        %get3A_553 = arith.index_cast %scan3A_546 : i32 to index
        %get3A_554 = arith.constant 0 : index
        %get3A_555 = tpu.vector_load %arg6[%get3A_551, %get3A_552, %get3A_553, %get3A_554] {strides = array<i32>} : memref<2x4x128x64xf32, #tpu.memory_space<vmem>>, vector<16xf32>,
        %get3A_556 = arith.constant 1 : i32
        %get3A_557 = arith.constant 1 : i32
        %get3A_558 = arith.index_cast %get3A_556 : i32 to index
        %get3A_559 = arith.index_cast %get3A_557 : i32 to index
        %get3A_560 = arith.index_cast %scan3A_546 : i32 to index
        %get3A_561 = arith.constant 0 : index
        %get3A_562 = tpu.vector_load %arg6[%get3A_558, %get3A_559, %get3A_560, %get3A_561] {strides = array<i32>} : memref<2x4x128x64xf32, #tpu.memory_space<vmem>>, vector<16xf32>,
        %get3A_563 = arith.constant 1 : i32
        %get3A_564 = arith.constant 2 : i32
        %get3A_565 = arith.index_cast %get3A_563 : i32 to index
        %get3A_566 = arith.index_cast %get3A_564 : i32 to index
        %get3A_567 = arith.index_cast %scan3A_546 : i32 to index
        %get3A_568 = arith.constant 0 : index
        %get3A_569 = tpu.vector_load %arg6[%get3A_565, %get3A_566, %get3A_567, %get3A_568] {strides = array<i32>} : memref<2x4x128x64xf32, #tpu.memory_space<vmem>>, vector<16xf32>,
        %get3A_570 = arith.constant 1 : i32
        %get3A_571 = arith.constant 3 : i32
        %get3A_572 = arith.index_cast %get3A_570 : i32 to index
        %get3A_573 = arith.index_cast %get3A_571 : i32 to index
        %get3A_574 = arith.index_cast %scan3A_546 : i32 to index
        %get3A_575 = arith.constant 0 : index
        %get3A_576 = tpu.vector_load %arg6[%get3A_572, %get3A_573, %get3A_574, %get3A_575] {strides = array<i32>} : memref<2x4x128x64xf32, #tpu.memory_space<vmem>>, vector<16xf32>,
        %get3A_577 = arith.constant 1 : i32
        %get3A_578 = arith.constant 0 : i32
        %get3A_579 = arith.index_cast %get3A_577 : i32 to index
        %get3A_580 = arith.index_cast %get3A_578 : i32 to index
        %get3A_581 = arith.index_cast %scan3A_546 : i32 to index
        %get3A_582 = arith.constant 16 : index
        %get3A_583 = tpu.vector_load %arg6[%get3A_579, %get3A_580, %get3A_581, %get3A_582] {strides = array<i32>} : memref<2x4x128x64xf32, #tpu.memory_space<vmem>>, vector<16xf32>,
        %get3A_584 = arith.constant 1 : i32
        %get3A_585 = arith.constant 1 : i32
        %get3A_586 = arith.index_cast %get3A_584 : i32 to index
        %get3A_587 = arith.index_cast %get3A_585 : i32 to index
        %get3A_588 = arith.index_cast %scan3A_546 : i32 to index
        %get3A_589 = arith.constant 16 : index
        %get3A_590 = tpu.vector_load %arg6[%get3A_586, %get3A_587, %get3A_588, %get3A_589] {strides = array<i32>} : memref<2x4x128x64xf32, #tpu.memory_space<vmem>>, vector<16xf32>,
        %get3A_591 = arith.constant 1 : i32
        %get3A_592 = arith.constant 2 : i32
        %get3A_593 = arith.index_cast %get3A_591 : i32 to index
        %get3A_594 = arith.index_cast %get3A_592 : i32 to index
        %get3A_595 = arith.index_cast %scan3A_546 : i32 to index
        %get3A_596 = arith.constant 16 : index
        %get3A_597 = tpu.vector_load %arg6[%get3A_593, %get3A_594, %get3A_595, %get3A_596] {strides = array<i32>} : memref<2x4x128x64xf32, #tpu.memory_space<vmem>>, vector<16xf32>,
        %get3A_598 = arith.constant 1 : i32
        %get3A_599 = arith.constant 3 : i32
        %get3A_600 = arith.index_cast %get3A_598 : i32 to index
        %get3A_601 = arith.index_cast %get3A_599 : i32 to index
        %get3A_602 = arith.index_cast %scan3A_546 : i32 to index
        %get3A_603 = arith.constant 16 : index
        %get3A_604 = tpu.vector_load %arg6[%get3A_600, %get3A_601, %get3A_602, %get3A_603] {strides = array<i32>} : memref<2x4x128x64xf32, #tpu.memory_space<vmem>>, vector<16xf32>,
        %get3A_605 = arith.constant 1 : i32
        %get3A_606 = arith.constant 0 : i32
        %get3A_607 = arith.index_cast %get3A_605 : i32 to index
        %get3A_608 = arith.index_cast %get3A_606 : i32 to index
        %get3A_609 = arith.index_cast %scan3A_546 : i32 to index
        %get3A_610 = arith.constant 32 : index
        %get3A_611 = tpu.vector_load %arg6[%get3A_607, %get3A_608, %get3A_609, %get3A_610] {strides = array<i32>} : memref<2x4x128x64xf32, #tpu.memory_space<vmem>>, vector<16xf32>,
        %get3A_612 = arith.constant 1 : i32
        %get3A_613 = arith.constant 1 : i32
        %get3A_614 = arith.index_cast %get3A_612 : i32 to index
        %get3A_615 = arith.index_cast %get3A_613 : i32 to index
        %get3A_616 = arith.index_cast %scan3A_546 : i32 to index
        %get3A_617 = arith.constant 32 : index
        %get3A_618 = tpu.vector_load %arg6[%get3A_614, %get3A_615, %get3A_616, %get3A_617] {strides = array<i32>} : memref<2x4x128x64xf32, #tpu.memory_space<vmem>>, vector<16xf32>,
        %get3A_619 = arith.constant 1 : i32
        %get3A_620 = arith.constant 2 : i32
        %get3A_621 = arith.index_cast %get3A_619 : i32 to index
        %get3A_622 = arith.index_cast %get3A_620 : i32 to index
        %get3A_623 = arith.index_cast %scan3A_546 : i32 to index
        %get3A_624 = arith.constant 32 : index
        %get3A_625 = tpu.vector_load %arg6[%get3A_621, %get3A_622, %get3A_623, %get3A_624] {strides = array<i32>} : memref<2x4x128x64xf32, #tpu.memory_space<vmem>>, vector<16xf32>,
        %get3A_626 = arith.constant 1 : i32
        %get3A_627 = arith.constant 3 : i32
        %get3A_628 = arith.index_cast %get3A_626 : i32 to index
        %get3A_629 = arith.index_cast %get3A_627 : i32 to index
        %get3A_630 = arith.index_cast %scan3A_546 : i32 to index
        %get3A_631 = arith.constant 32 : index
        %get3A_632 = tpu.vector_load %arg6[%get3A_628, %get3A_629, %get3A_630, %get3A_631] {strides = array<i32>} : memref<2x4x128x64xf32, #tpu.memory_space<vmem>>, vector<16xf32>,
        %get3A_633 = arith.constant 1 : i32
        %get3A_634 = arith.constant 0 : i32
        %get3A_635 = arith.index_cast %get3A_633 : i32 to index
        %get3A_636 = arith.index_cast %get3A_634 : i32 to index
        %get3A_637 = arith.index_cast %scan3A_546 : i32 to index
        %get3A_638 = arith.constant 48 : index
        %get3A_639 = tpu.vector_load %arg6[%get3A_635, %get3A_636, %get3A_637, %get3A_638] {strides = array<i32>} : memref<2x4x128x64xf32, #tpu.memory_space<vmem>>, vector<16xf32>,
        %get3A_640 = arith.constant 1 : i32
        %get3A_641 = arith.constant 1 : i32
        %get3A_642 = arith.index_cast %get3A_640 : i32 to index
        %get3A_643 = arith.index_cast %get3A_641 : i32 to index
        %get3A_644 = arith.index_cast %scan3A_546 : i32 to index
        %get3A_645 = arith.constant 48 : index
        %get3A_646 = tpu.vector_load %arg6[%get3A_642, %get3A_643, %get3A_644, %get3A_645] {strides = array<i32>} : memref<2x4x128x64xf32, #tpu.memory_space<vmem>>, vector<16xf32>,
        %get3A_647 = arith.constant 1 : i32
        %get3A_648 = arith.constant 2 : i32
        %get3A_649 = arith.index_cast %get3A_647 : i32 to index
        %get3A_650 = arith.index_cast %get3A_648 : i32 to index
        %get3A_651 = arith.index_cast %scan3A_546 : i32 to index
        %get3A_652 = arith.constant 48 : index
        %get3A_653 = tpu.vector_load %arg6[%get3A_649, %get3A_650, %get3A_651, %get3A_652] {strides = array<i32>} : memref<2x4x128x64xf32, #tpu.memory_space<vmem>>, vector<16xf32>,
        %get3A_654 = arith.constant 1 : i32
        %get3A_655 = arith.constant 3 : i32
        %get3A_656 = arith.index_cast %get3A_654 : i32 to index
        %get3A_657 = arith.index_cast %get3A_655 : i32 to index
        %get3A_658 = arith.index_cast %scan3A_546 : i32 to index
        %get3A_659 = arith.constant 48 : index
        %get3A_660 = tpu.vector_load %arg6[%get3A_656, %get3A_657, %get3A_658, %get3A_659] {strides = array<i32>} : memref<2x4x128x64xf32, #tpu.memory_space<vmem>>, vector<16xf32>,
        %add3A_661 = arith.addf %get3A_555, %get3A_562 : vector<16xf32>
        %add3A_662 = arith.addf %get3A_569, %get3A_576 : vector<16xf32>
        %add3A_663 = arith.addf %add3A_661, %add3A_662 : vector<16xf32>
        %scatter3A = arith.constant 1 : i32
        %scatter3A_664 = arith.constant 0 : i32
        %scatter3A_665 = arith.constant 0 : i32
        %scatter3A_666 = arith.constant 0 : i32
        %scatter3A_667 = tpu.memref_slice %arg7[%scatter3A, %scatter3A_664, %scatter3A_665, %scatter3A_666] : memref<2x8x8x129xf32, #tpu.memory_space<vmem>> -> memref<1x8x8x129xf32, #tpu.memory_space<vmem>>
        %scatter3A_668 = tpu.memref_squeeze %scatter3A_667 : memref<1x8x8x129xf32, #tpu.memory_space<vmem>> -> memref<8x8x129xf32, #tpu.memory_space<vmem>>
        tpu.vector_store_idx %scatter3A_668[%select_n3A, %select_n3A_153, %add3A_549], %add3A_663 : memref<8x8x129xf32, #tpu.memory_space<vmem>>[vector<16xi32>, vector<16xi32>, vector<16xi32>], vector<16xf32>,
        %add3A_669 = arith.addf %get3A_583, %get3A_590 : vector<16xf32>
        %add3A_670 = arith.addf %get3A_597, %get3A_604 : vector<16xf32>
        %add3A_671 = arith.addf %add3A_669, %add3A_670 : vector<16xf32>
        %scatter3A_672 = arith.constant 1 : i32
        %scatter3A_673 = arith.constant 0 : i32
        %scatter3A_674 = arith.constant 0 : i32
        %scatter3A_675 = arith.constant 0 : i32
        %scatter3A_676 = tpu.memref_slice %arg7[%scatter3A_672, %scatter3A_673, %scatter3A_674, %scatter3A_675] : memref<2x8x8x129xf32, #tpu.memory_space<vmem>> -> memref<1x8x8x129xf32, #tpu.memory_space<vmem>>
        %scatter3A_677 = tpu.memref_squeeze %scatter3A_676 : memref<1x8x8x129xf32, #tpu.memory_space<vmem>> -> memref<8x8x129xf32, #tpu.memory_space<vmem>>
        tpu.vector_store_idx %scatter3A_677[%select_n3A_71, %select_n3A_175, %add3A_549], %add3A_671 : memref<8x8x129xf32, #tpu.memory_space<vmem>>[vector<16xi32>, vector<16xi32>, vector<16xi32>], vector<16xf32>,
        %add3A_678 = arith.addf %get3A_611, %get3A_618 : vector<16xf32>
        %add3A_679 = arith.addf %get3A_625, %get3A_632 : vector<16xf32>
        %add3A_680 = arith.addf %add3A_678, %add3A_679 : vector<16xf32>
        %scatter3A_681 = arith.constant 1 : i32
        %scatter3A_682 = arith.constant 0 : i32
        %scatter3A_683 = arith.constant 0 : i32
        %scatter3A_684 = arith.constant 0 : i32
        %scatter3A_685 = tpu.memref_slice %arg7[%scatter3A_681, %scatter3A_682, %scatter3A_683, %scatter3A_684] : memref<2x8x8x129xf32, #tpu.memory_space<vmem>> -> memref<1x8x8x129xf32, #tpu.memory_space<vmem>>
        %scatter3A_686 = tpu.memref_squeeze %scatter3A_685 : memref<1x8x8x129xf32, #tpu.memory_space<vmem>> -> memref<8x8x129xf32, #tpu.memory_space<vmem>>
        tpu.vector_store_idx %scatter3A_686[%select_n3A_102, %select_n3A_197, %add3A_549], %add3A_680 : memref<8x8x129xf32, #tpu.memory_space<vmem>>[vector<16xi32>, vector<16xi32>, vector<16xi32>], vector<16xf32>,
        %add3A_687 = arith.addf %get3A_639, %get3A_646 : vector<16xf32>
        %add3A_688 = arith.addf %get3A_653, %get3A_660 : vector<16xf32>
        %add3A_689 = arith.addf %add3A_687, %add3A_688 : vector<16xf32>
        %scatter3A_690 = arith.constant 1 : i32
        %scatter3A_691 = arith.constant 0 : i32
        %scatter3A_692 = arith.constant 0 : i32
        %scatter3A_693 = arith.constant 0 : i32
        %scatter3A_694 = tpu.memref_slice %arg7[%scatter3A_690, %scatter3A_691, %scatter3A_692, %scatter3A_693] : memref<2x8x8x129xf32, #tpu.memory_space<vmem>> -> memref<1x8x8x129xf32, #tpu.memory_space<vmem>>
        %scatter3A_695 = tpu.memref_squeeze %scatter3A_694 : memref<1x8x8x129xf32, #tpu.memory_space<vmem>> -> memref<8x8x129xf32, #tpu.memory_space<vmem>>
        tpu.vector_store_idx %scatter3A_695[%select_n3A_133, %select_n3A_219, %add3A_549], %add3A_689 : memref<8x8x129xf32, #tpu.memory_space<vmem>>[vector<16xi32>, vector<16xi32>, vector<16xi32>], vector<16xf32>,
      }
      %scan3A_524 = arith.constant 128 : i32
      %dma_start3A_525 = arith.constant 1 : i32
      %dma_start3A_526 = arith.constant 0 : i32
      %dma_start3A_527 = arith.constant 0 : i32
      %dma_start3A_528 = arith.constant 0 : i32
      %dma_start3A_529 = tpu.memref_slice %arg7[%dma_start3A_525, %dma_start3A_526, %dma_start3A_527, %dma_start3A_528] : memref<2x8x8x129xf32, #tpu.memory_space<vmem>> -> memref<1x8x8x128xf32, #tpu.memory_space<vmem>>
      %dma_start3A_530 = tpu.memref_squeeze %dma_start3A_529 : memref<1x8x8x128xf32, #tpu.memory_space<vmem>> -> memref<8x8x128xf32, #tpu.memory_space<vmem>>
      %dma_start3A_531 = arith.constant 0 : i32
      %dma_start3A_532 = arith.constant 0 : i32
      %dma_start3A_533 = arith.constant 0 : i32
      %dma_start3A_534 = tpu.memref_slice %arg4[%add3A_443, %dma_start3A_531, %add3A, %dma_start3A_532, %dma_start3A_533] : memref<200x8x32x8x128xf32, #tpu.memory_space<hbm>> -> memref<1x8x1x8x128xf32, #tpu.memory_space<hbm>>
      %dma_start3A_535 = tpu.memref_squeeze %dma_start3A_534 : memref<1x8x1x8x128xf32, #tpu.memory_space<hbm>> -> memref<8x8x128xf32, #tpu.memory_space<hbm>>
      %dma_start3A_536 = arith.constant 0 : i32
      %dma_start3A_537 = arith.constant 0 : i32
      %dma_start3A_538 = arith.constant 0 : i32
      %dma_start3A_539 = tpu.memref_slice %arg4[%add3A_443, %dma_start3A_536, %add3A, %dma_start3A_537, %dma_start3A_538] : memref<200x8x32x8x128xf32, #tpu.memory_space<hbm>> -> memref<1x8x1x8x128xf32, #tpu.memory_space<hbm>>
      %dma_start3A_540 = tpu.memref_squeeze %dma_start3A_539 : memref<1x8x1x8x128xf32, #tpu.memory_space<hbm>> -> memref<8x8x128xf32, #tpu.memory_space<hbm>>
      %dma_start3A_541 = arith.constant 0 : i32
      %dma_start3A_542 = arith.constant 0 : i32
      %dma_start3A_543 = arith.constant 0 : i32
      %dma_start3A_544 = tpu.memref_slice %arg7[%dma_start3A_525, %dma_start3A_541, %dma_start3A_542, %dma_start3A_543] : memref<2x8x8x129xf32, #tpu.memory_space<vmem>> -> memref<1x8x8x128xf32, #tpu.memory_space<vmem>>
      %dma_start3A_545 = tpu.memref_squeeze %dma_start3A_544 : memref<1x8x8x128xf32, #tpu.memory_space<vmem>> -> memref<8x8x128xf32, #tpu.memory_space<vmem>>
      tpu.enqueue_dma source(%dma_start3A_545 : memref<8x8x128xf32, #tpu.memory_space<vmem>>) target(%dma_start3A_540 : memref<8x8x128xf32, #tpu.memory_space<hbm>>) target_semaphore(%arg13 : memref<!tpu.dma_semaphore, #tpu.memory_space<semaphore_mem>>)
    }
    %scan3A_292 = arith.constant 100 : i32
    %dma_wait3A = arith.constant 0 : i32
    %dma_wait3A_293 = arith.constant 198 : i32
    %dma_wait3A_294 = arith.constant 0 : i32
    %dma_wait3A_295 = arith.constant 0 : i32
    %dma_wait3A_296 = arith.constant 0 : i32
    %dma_wait3A_297 = tpu.memref_slice %arg7[%dma_wait3A, %dma_wait3A_294, %dma_wait3A_295, %dma_wait3A_296] : memref<2x8x8x129xf32, #tpu.memory_space<vmem>> -> memref<1x8x8x128xf32, #tpu.memory_space<vmem>>
    %dma_wait3A_298 = tpu.memref_squeeze %dma_wait3A_297 : memref<1x8x8x128xf32, #tpu.memory_space<vmem>> -> memref<8x8x128xf32, #tpu.memory_space<vmem>>
    %dma_wait3A_299 = arith.constant 0 : i32
    %dma_wait3A_300 = arith.constant 0 : i32
    %dma_wait3A_301 = arith.constant 0 : i32
    %dma_wait3A_302 = tpu.memref_slice %arg4[%dma_wait3A_293, %dma_wait3A_299, %add3A, %dma_wait3A_300, %dma_wait3A_301] : memref<200x8x32x8x128xf32, #tpu.memory_space<hbm>> -> memref<1x8x1x8x128xf32, #tpu.memory_space<hbm>>
    %dma_wait3A_303 = tpu.memref_squeeze %dma_wait3A_302 : memref<1x8x1x8x128xf32, #tpu.memory_space<hbm>> -> memref<8x8x128xf32, #tpu.memory_space<hbm>>
    %dma_wait3A_304 = arith.constant 0 : i32
    %dma_wait3A_305 = arith.constant 0 : i32
    %dma_wait3A_306 = arith.constant 0 : i32
    %dma_wait3A_307 = tpu.memref_slice %arg4[%dma_wait3A_293, %dma_wait3A_304, %add3A, %dma_wait3A_305, %dma_wait3A_306] : memref<200x8x32x8x128xf32, #tpu.memory_space<hbm>> -> memref<1x8x1x8x128xf32, #tpu.memory_space<hbm>>
    %dma_wait3A_308 = tpu.memref_squeeze %dma_wait3A_307 : memref<1x8x1x8x128xf32, #tpu.memory_space<hbm>> -> memref<8x8x128xf32, #tpu.memory_space<hbm>>
    %dma_wait3A_309 = arith.constant 0 : i32
    %dma_wait3A_310 = arith.constant 0 : i32
    %dma_wait3A_311 = arith.constant 0 : i32
    %dma_wait3A_312 = tpu.memref_slice %arg7[%dma_wait3A, %dma_wait3A_309, %dma_wait3A_310, %dma_wait3A_311] : memref<2x8x8x129xf32, #tpu.memory_space<vmem>> -> memref<1x8x8x128xf32, #tpu.memory_space<vmem>>
    %dma_wait3A_313 = tpu.memref_squeeze %dma_wait3A_312 : memref<1x8x8x128xf32, #tpu.memory_space<vmem>> -> memref<8x8x128xf32, #tpu.memory_space<vmem>>
    tpu.wait_dma2 semaphore(%arg12 : memref<!tpu.dma_semaphore, #tpu.memory_space<semaphore_mem>>) src(%dma_wait3A_313 : memref<8x8x128xf32, #tpu.memory_space<vmem>>) dst(%dma_wait3A_308 : memref<8x8x128xf32, #tpu.memory_space<hbm>>)
    %dma_wait3A_314 = arith.constant 1 : i32
    %dma_wait3A_315 = arith.constant 199 : i32
    %dma_wait3A_316 = arith.constant 0 : i32
    %dma_wait3A_317 = arith.constant 0 : i32
    %dma_wait3A_318 = arith.constant 0 : i32
    %dma_wait3A_319 = tpu.memref_slice %arg7[%dma_wait3A_314, %dma_wait3A_316, %dma_wait3A_317, %dma_wait3A_318] : memref<2x8x8x129xf32, #tpu.memory_space<vmem>> -> memref<1x8x8x128xf32, #tpu.memory_space<vmem>>
    %dma_wait3A_320 = tpu.memref_squeeze %dma_wait3A_319 : memref<1x8x8x128xf32, #tpu.memory_space<vmem>> -> memref<8x8x128xf32, #tpu.memory_space<vmem>>
    %dma_wait3A_321 = arith.constant 0 : i32
    %dma_wait3A_322 = arith.constant 0 : i32
    %dma_wait3A_323 = arith.constant 0 : i32
    %dma_wait3A_324 = tpu.memref_slice %arg4[%dma_wait3A_315, %dma_wait3A_321, %add3A, %dma_wait3A_322, %dma_wait3A_323] : memref<200x8x32x8x128xf32, #tpu.memory_space<hbm>> -> memref<1x8x1x8x128xf32, #tpu.memory_space<hbm>>
    %dma_wait3A_325 = tpu.memref_squeeze %dma_wait3A_324 : memref<1x8x1x8x128xf32, #tpu.memory_space<hbm>> -> memref<8x8x128xf32, #tpu.memory_space<hbm>>
    %dma_wait3A_326 = arith.constant 0 : i32
    %dma_wait3A_327 = arith.constant 0 : i32
    %dma_wait3A_328 = arith.constant 0 : i32
    %dma_wait3A_329 = tpu.memref_slice %arg4[%dma_wait3A_315, %dma_wait3A_326, %add3A, %dma_wait3A_327, %dma_wait3A_328] : memref<200x8x32x8x128xf32, #tpu.memory_space<hbm>> -> memref<1x8x1x8x128xf32, #tpu.memory_space<hbm>>
    %dma_wait3A_330 = tpu.memref_squeeze %dma_wait3A_329 : memref<1x8x1x8x128xf32, #tpu.memory_space<hbm>> -> memref<8x8x128xf32, #tpu.memory_space<hbm>>
    %dma_wait3A_331 = arith.constant 0 : i32
    %dma_wait3A_332 = arith.constant 0 : i32
    %dma_wait3A_333 = arith.constant 0 : i32
    %dma_wait3A_334 = tpu.memref_slice %arg7[%dma_wait3A_314, %dma_wait3A_331, %dma_wait3A_332, %dma_wait3A_333] : memref<2x8x8x129xf32, #tpu.memory_space<vmem>> -> memref<1x8x8x128xf32, #tpu.memory_space<vmem>>
    %dma_wait3A_335 = tpu.memref_squeeze %dma_wait3A_334 : memref<1x8x8x128xf32, #tpu.memory_space<vmem>> -> memref<8x8x128xf32, #tpu.memory_space<vmem>>
    tpu.wait_dma2 semaphore(%arg13 : memref<!tpu.dma_semaphore, #tpu.memory_space<semaphore_mem>>) src(%dma_wait3A_335 : memref<8x8x128xf32, #tpu.memory_space<vmem>>) dst(%dma_wait3A_330 : memref<8x8x128xf32, #tpu.memory_space<hbm>>)
    return
  }
}

</mosaic_0001>

<sc_bundles>
// kernel: kernel.3.cloned.1.call-start
scs
__scs_entry_jumppad:
0x0: {  	(pc) =	sbr.rel $0x88, $3  }
0x1: {  	(tag) =	ssettag $0x0;
	lr =	simm.s32 $0x1  }
0x2: {  	[smem:$0x3F9F] =	sst lr;
	_ =	strace $0xD0000000  }
0x3: {  	_ = 	snop  }
0x4: {  	_ = 	snop  }
0x5: {  	_ = 	snop  }
0x6: {  	_ = 	snop  }
0x7: {  	_ = 	snop  }
__scs_overlays_trampoline_lowered:
0x8: {  	[smem:$0x3FAE] =	sst s0  }
0x9: {  	[smem:$0x3FAF] =	sst s1  }
0xa: {  	[smem:$0x3FB0] =	sst s2  }
0xb: {  	[smem:$0x3FB1] =	sst s3  }
0xc: {  	[smem:$0x3FB2] =	sst s4  }
0xd: {  	[smem:$0x3FB3] =	sst s5  }
0xe: {  	[smem:$0x3FB4] =	sst s6  }
0xf: {  	[smem:$0x3FB5] =	sst s7  }
0x10: {  	[smem:$0x3FB6] =	sst s8  }
0x11: {  	[smem:$0x3FB7] =	sst s9;
	s0 =	simm.s32 @!p0 $0x0  }
0x12: {  	s1 =	sld [smem:$0x3F9D];
	s0 =	simm.s32 @p0 $0x1  }
0x13: {  	[smem:$0x3FB8] =	sst s0;
	s0 =	simm.s32 @!p1 $0x0  }
0x14: {  	s2 =	sld [smem:$0x3F9C];
	s0 =	simm.s32 @p1 $0x1  }
0x15: {  	[smem:$0x3FB9] =	sst s0;
	s0 =	simm.s32 @!p2 $0x0  }
0x16: {  	s3 =	sld [smem:$0x3FDB];
	s0 =	simm.s32 @p2 $0x1  }
0x17: {  	s4 =	simm.s32 $0x1BF5;
	[smem:$0x3FBB] =	sst s0  }
0x18: {  	s0 =	sld [smem:$0x3F9E];
	_ =	swait.ge [sflag:s4], $0x0  }
0x19: {  	s7 =	sld [smem:$0x3F9F]  }
0x1a: {  	s8 =	sadd.s32 $0xFFFFE003, lr  }
0x1b: {  	s9 =	sadd.s32 $0xFFFFFEF7, lr;
	s5 =	simm.s32 $0xFFFFFFFF;
	p2 =	slt.u32 s8, $0xFFFFF086  }
0x1c: {  	p1 =	slt.u32 s9, $0xF7A;
	s5 =	simm.s32 @!p2 $0x0  }
0x1d: {  	s5 =	simm.s32 @p1 $0x1;
	p0 =	seq.s32 s7, s2  }
0x1e: {  	s7 =	smul.u32 @!p0 $0xF7A, s2;
	p2 =	seq.s32 @!p0 s5, $0x0  }
0x1f: {  	s9 =	smul.u32 $0xF7A, s1;
	s8 =	simm.s32 @!p0 $0x1BF5;
	p2 =	por !p2, p0  }
0x20: {  	[sflag:s8] =	ssyncset.s32 @!p0 $0xFFFFF086;
	s6 =	sadd.s32 @!p0 s3, s7;
	s7 =	simm.s32 @!p0 $0x108  }
0x21: {  	s3 =	sadd.s32 s3, s9;
	s6 =	sadd.s32 @!p0 $0x88, s6;
	s7 =	simm.s32 @p2 $0x1082  }
0x22: {  	[simem:s7], [sflag:s8] =	dma.local @!p0 [hbm:s6], $0xF7A  }
0x23: {  	s9 =	sor.u32 $0xD0000000, s2;
	s6 =	simm.s32 $0x108;
	_ =	swait.ge @!p0 [sflag:s8], $0x0  }
0x24: {  	s3 =	sadd.s32 $0x88, s3;
	s6 =	simm.s32 @!p1 $0x1082;
	[sflag:s4] =	ssyncset.s32 $0xFFFFF086  }
0x25: {  	[simem:s6], [sflag:s4] =	dma.local [hbm:s3], $0xF7A  }
0x26: {  	[smem:$0x3F9F] =	sst s1;
	(tag) =	ssettag s2;
	_ =	strace s9  }
0x27: {  	s1 =	sld [smem:$0x3FAF]  }
0x28: {  	s2 =	sld [smem:$0x3FB0]  }
0x29: {  	s4 =	sld [smem:$0x3FB2]  }
0x2a: {  	p0 =	seq.s32 s5, $0x0;
	s5 =	sld [smem:$0x3FB3]  }
0x2b: {  	s6 =	sld [smem:$0x3FB4]  }
0x2c: {  	s7 =	sld [smem:$0x3FB5]  }
0x2d: {  	s3 =	simm.s32 $0x108;
	s8 =	sld [smem:$0x3FB6]  }
0x2e: {  	s3 =	simm.s32 @!p0 $0x1082;
	s9 =	sld [smem:$0x3FB7]  }
0x2f: {  	lr =	sadd.s32 s0, s3;
	s0 =	sld [smem:$0x3FAE]  }
0x30: {  	s3 =	sld [smem:$0x3FB1]  }
0x31: {  	[smem:$0x3FBA] =	sst s10  }
0x32: {  	s10 =	sld [smem:$0x3FB8];
	_ =	sdelay $0x3  }
0x33: {  	p0 =	seq.s32 s10, $0x1;
	s10 =	sld [smem:$0x3FBA];
	_ =	sdelay $0x3  }
0x34: {  	[smem:$0x3FBA] =	sst s10  }
0x35: {  	s10 =	sld [smem:$0x3FB9];
	_ =	sdelay $0x3  }
0x36: {  	p1 =	seq.s32 s10, $0x1;
	s10 =	sld [smem:$0x3FBA];
	_ =	sdelay $0x3  }
0x37: {  	[smem:$0x3FBA] =	sst s10  }
0x38: {  	s10 =	sld [smem:$0x3FBB]  }
0x39: {  	_ = 	snop;
	(pc) =	sbr.ind lr, $3  }
0x3a: {  	_ = 	snop  }
0x3b: {  	_ = 	snop  }
0x3c: {  	p2 =	seq.s32 s10, $0x1;
	s10 =	sld [smem:$0x3FBA]  }
0x3d: {  	_ =	shalt  }
0x3e: {  	_ =	shalt  }
0x3f: {  	_ =	shalt  }
0x40: {  	_ =	shalt  }
0x41: {  	_ =	shalt  }
0x42: {  	_ =	shalt  }
0x43: {  	_ =	shalt  }
0x44: {  	_ =	shalt  }
0x45: {  	_ =	shalt  }
0x46: {  	_ =	shalt  }
0x47: {  	_ =	shalt  }
0x48: {  	_ =	shalt  }
0x49: {  	_ =	shalt  }
0x4a: {  	_ =	shalt  }
0x4b: {  	_ =	shalt  }
0x4c: {  	_ =	shalt  }
0x4d: {  	_ =	shalt  }
0x4e: {  	_ =	shalt  }
0x4f: {  	_ =	shalt  }
0x50: {  	_ =	shalt  }
0x51: {  	_ =	shalt  }
0x52: {  	_ =	shalt  }
0x53: {  	_ =	shalt  }
0x54: {  	_ =	shalt  }
0x55: {  	_ =	shalt  }
0x56: {  	_ =	shalt  }
0x57: {  	_ =	shalt  }
0x58: {  	_ =	shalt  }
0x59: {  	_ =	shalt  }
0x5a: {  	_ =	shalt  }
0x5b: {  	_ =	shalt  }
0x5c: {  	_ =	shalt  }
0x5d: {  	_ =	shalt  }
0x5e: {  	_ =	shalt  }
0x5f: {  	_ =	shalt  }
0x60: {  	_ =	shalt  }
0x61: {  	_ =	shalt  }
0x62: {  	_ =	shalt  }
0x63: {  	_ =	shalt  }
0x64: {  	_ =	shalt  }
0x65: {  	_ =	shalt  }
0x66: {  	_ =	shalt  }
0x67: {  	_ =	shalt  }
0x68: {  	_ =	shalt  }
0x69: {  	_ =	shalt  }
0x6a: {  	_ =	shalt  }
0x6b: {  	_ =	shalt  }
0x6c: {  	_ =	shalt  }
0x6d: {  	_ =	shalt  }
0x6e: {  	_ =	shalt  }
0x6f: {  	_ =	shalt  }
0x70: {  	_ =	shalt  }
0x71: {  	_ =	shalt  }
0x72: {  	_ =	shalt  }
0x73: {  	_ =	shalt  }
0x74: {  	_ =	shalt  }
0x75: {  	_ =	shalt  }
0x76: {  	_ =	shalt  }
0x77: {  	_ =	shalt  }
0x78: {  	_ =	shalt  }
0x79: {  	_ =	shalt  }
0x7a: {  	_ =	shalt  }
0x7b: {  	_ =	shalt  }
0x7c: {  	_ =	shalt  }
0x7d: {  	_ =	shalt  }
0x7e: {  	_ =	shalt  }
0x7f: {  	_ =	shalt  }
0x80: {  	_ =	shalt  }
0x81: {  	_ =	shalt  }
0x82: {  	_ =	shalt  }
0x83: {  	_ =	shalt  }
0x84: {  	_ =	shalt  }
0x85: {  	_ =	shalt  }
0x86: {  	_ =	shalt  }
0x87: {  	_ =	shalt  }
.Lfunc_end0:
.L_simem_size_0:
called_computation_lowered:
.L_overlay_start_0:
0x88: {  	s2 =	sld [smem:$0x3FD9]  }
0x89: {  	s3 =	sld [smem:$0x3FFE];
	_ =	sdelay $0x1  }
0x8a: {  	s1 =	srdreg.scid  }
0x8b: {  	s0 =	sand.u32 $0x1, s1  }
0x8c: {  	s17 =	sshll.u32 s0, $0xA;
	s2 =	sadd.s32 s3, s2  }
0x8d: {  	s2 =	sadd.s32 s2, s17  }
0x8e: {  	[smem:$0x3FC6] =	sst s2  }
0x8f: {  	_ = 	snop  }
0x90: {  	s2 =	sld [smem:$0x3FD0];
	(tm) =	ssettm $0x1  }
0x91: {  	s18 =	sld [smem:$0x3FFB];
	_ =	sdelay $0x3  }
0x92: {  	_ =	strace s18  }
0x93: {  	s3 =	sld [smem:$0x3FFC];
	_ =	sdelay $0x3  }
0x94: {  	_ =	strace s3  }
0x95: {  	s3 =	sld [smem:$0x3FFD];
	_ =	sdelay $0x3  }
0x96: {  	_ =	strace s3  }
0x97: {  	_ =	strace $0x8FFFFFFF  }
0x98: {  	s19 =	sld [smem:$0x3FDB];
	_ =	sdelay $0x1  }
0x99: {  	s4 =	simm.s32 $_scs_section_size  }
0x9a: {  	s5 =	simm.s32 $_size__tile_overlayer_lowered;
	s6 =	simm.s32 $_tile_overlayer_lowered  }
0x9b: {  	s22 =	simm.s32 $0x1BFF;
	s21 =	sshll.u32 s6, $0x1;
	s3 =	sadd.s32 s4, s19  }
0x9c: {  	s7 =	simm.s32 $0x0;
	s20 =	sshll.u32 s5, $0x1;
	s5 =	sadd.s32 s21, s3  }
0x9d: {  	[timem:s7], [sflag:s22] =	dma.local [hbm:s5], s20  }
0x9e: {  	_ =	swait.ge [sflag:s22], s20  }
0x9f: {  	s4 =	ssub.s32 $0x0, s20;
	[sflag:s22] =	ssyncset.done $0x0  }
0xa0: {  	[sflag:s22] =	ssyncadd.s32 s4;
	_ =	sdelay $0x1  }
0xa1: {  	s23 =	simm.s32 $0x1B8B  }
0xa2: {  	_ =	swait.ge [sflag:s23], $0x1  }
0xa3: {  	[sflag:s23] =	ssyncset.done $0x0  }
0xa4: {  	s25 =	simm.s32 $0x1B8E;
	s24 =	sld [smem:$0x3FFE];
	[sflag:s23] =	ssyncadd.s32 $0xFFFFFFFF  }
0xa5: {  	s26 =	simm.s32 $execute0_lowered;
	[smem:$0x3FD2] =	sst s25  }
0xa6: {  	s5 =	sshll.u32 s26, $0x1;
	_ =	strace $0x80000046;
	[dreg:$0x1] =	wrdreg $0xFFFFFFFF  }
0xa7: {  	s28 =	simm.s32 $_size_execute0_lowered;
	s3 =	sadd.s32 s3, s5;
	[dreg:$0x0] =	wrdreg $0x0  }
0xa8: {  	s5 =	sshll.u32 s28, $0x1;
	[dreg:$0x2] =	wrdreg s3  }
0xa9: {  	[dreg:$0x3] =	wrdreg s5  }
0xaa: {  	[dreg:$0x4] =	wrdreg $0xC0  }
0xab: {  	_ =	task [dreg:s7], $0x5FFFF  }
0xac: {  	[dreg:$0x1] =	wrdreg $0xFFFFFFFF  }
0xad: {  	[dreg:$0x0] =	wrdreg $0x60  }
0xae: {  	[dreg:$0x2] =	wrdreg s24  }
0xaf: {  	[dreg:$0x3] =	wrdreg s2  }
0xb0: {  	[dreg:$0x4] =	wrdreg $0x9  }
0xb1: {  	_ =	task.clear_ibuf [dreg:s7], $0x5FFFF;
	_ =	strace $0x90000046  }
0xb2: {  	s29 =	simm.s32 $0x9;
	_ =	strace $0x80000048  }
0xb3: {  	_ =	swait.ge [sflag:s29], $0x1  }
0xb4: {  	[sflag:s29] =	ssyncadd.s32 $0xFFFFFFFF  }
0xb5: {  	_ =	strace $0x90000048  }
0xb6: {  	_ =	sfence  }
0xb7: {  	s30 =	sld [smem:$0x0];
	_ =	sdelay $0x2  }
0xb8: {  	s31 =	sshll.u32 s1, $0xD;
	s1 =	sshrl.u32 s1, $0x2  }
0xb9: {  	s3 =	sand.u32 $0x4000, s31;
	s1 =	sadd.s32 s1, s30  }
0xba: {  	s0 =	sor.u32 s3, s0;
	s1 =	sshll.u32 s1, $0x11  }
0xbb: {  	s0 =	sor.u32 s1, s0  }
0xbc: {  	s0 =	sadd.s32 $0x8F2B, s0  }
0xbd: {  	[sflag:s0] =	ssyncadd.remote.s32 $0x1  }
0xbe: {  	_ =	sfence.sel $0xFFFF  }
0xbf: {  	[dreg:$0x0] =	wrdreg $0xFFFFFFFF;
	(pc) =	sbr.abs _section_cstart, $3  }
0xc0: {  	[dreg:$0x1] =	wrdreg $0xFFFFFFFF  }
0xc1: {  	_ =	task.clear_ibuf [dreg:s7], $0x2FFFF;
	_ =	strace $0x9FFFFFFF  }
0xc2: {  	(tm) =	ssettm $0x7FFFFFFF  }
0xc3: {  	_ =	shalt  }
tec
execute0_lowered:
.L_overlay_start_1:
0x0: {  	(tag) =	ssettag $0x1  }
0x1: {  	s0 =	rddreg [dreg:$0x0]  }
0x2: {  	s7 =	rddreg [dreg:$0x1];
	s3 =	simm.s32 $0x0  }
0x3: {  	s1 =	srdreg.scid;
	s2 =	stileid.u32;
	s13 =	simm.s32 $0x80  }
0x4: {  	s22 =	simm.s32 $0x200;
	s23 =	simm.s32 $0x2;
	s28 =	simm.s32 $0x300  }
0x5: {  	s29 =	simm.s32 $0xC400;
	s30 =	simm.s32 $0x380;
	s31 =	simm.s32 $0xE400  }
0x6: {  	s16 =	simm.s32 $0x4;
	s17 =	simm.s32 $0x12600;
	s18 =	simm.s32 $0x5  }
0x7: {  	s19 =	simm.s32 $0x6;
	[smem:$0x7FF] =	sst s3;
	s1 =	sand.u32 $0x1, s1  }
0x8: {  	s2 =	sshll.u32 s2, $0x1;
	s4 =	sadd.s32 $0x600, s0;
	s5 =	sadd.s32 $0x64600, s0  }
0x9: {  	s11 =	sadd.s32 $0x8000, s7;
	s7 =	simm.s32 $0x0;
	s6 =	ssub.s32 $0x2, s1  }
0xa: {  	_ =	strace $0x80000047;
	s1 =	sor.u32 s1, s2;
	s25 =	sshrl.u32 s6, $0x1  }
0xb: {  	s2 =	sshll.u32 s1, $0x4;
	s0 =	ssub.s32 s6, s25;
	s6 =	sshll.u32 s1, $0x7  }
0xc: {  	v0 =	vlaneseq.u32;
	s26 =	sadd.s32 s4, s2;
	s25 =	simm.s32 $0x280;
	s2 =	simm.s32 $0x10400  }
0xd: {  	v0 =	vmul.u32 $0x88, v0;
	[dreg:$0x3] =	wrdreg s26;
	s1 =	sadd.s32 $0x800, s26;
	s9 =	sor.u32 $0x8000, s6  }
0xe: {  	s10 =	sor.u32 $0xC000, s6;
	s0 =	smax.u32 s0, $0x1;
	[dreg:$0x4] =	wrdreg s1  }
0xf: {  	v1 =	vadd.s32 $0x880, v0;
	v2 =	vadd.s32 $0x1100, v0;
	v3 =	vadd.s32 $0x1980, v0;
	s26 =	simm.s32 $0xA400;
	[dreg:$0x5] =	wrdreg s0;
	s0 =	simm.s32 $0x3  }
.LBB2_1:
0x10: {  	[dreg:$0x6] =	wrdreg s7  }
0x11: {  	s1 =	rddreg [dreg:$0x3];
	s7 =	simm.s32 $0x1000;
	s8 =	simm.s32 $0x7  }
0x12: {  	[tilespmem:s3], [sflag:$0x7] =	stream.strided.gather [hbm4b:s1+s13], $0x200, s7, s13, $0x38;
	[tilespmem:$0x14800] =	vst v63  }
0x13: {  	_ =	swait.ge [sflag:s8], $0x200  }
0x14: {  	[sflag:s8] =	ssyncset.done $0x0  }
0x15: {  	s12 =	simm.s32 $0x400;
	[sflag:s8] =	ssyncadd.s32 $0xFFFFFE00  }
0x16: {  	[tilespmem:s12], [sflag:$0x3] =	stream.indirect.gather [hbm4b:s5+s13], $0x40, s3, s13, $0xb8;
	[tilespmem:$0x14800] =	vst v63  }
0x17: {  	s14 =	simm.s32 $0x2400  }
0x18: {  	[tilespmem:s14], [sflag:$0x3] =	stream.indirect.gather [hbm4b:s5+s13], $0x40, s13, s13, $0xb8;
	[tilespmem:$0x14800] =	vst v63  }
0x19: {  	s15 =	simm.s32 $0x100;
	s8 =	simm.s32 $0x4400  }
0x1a: {  	[tilespmem:s8], [sflag:$0x3] =	stream.indirect.gather [hbm4b:s5+s13], $0x40, s15, s13, $0xb8;
	[tilespmem:$0x14800] =	vst v63  }
0x1b: {  	s20 =	simm.s32 $0x180;
	s21 =	simm.s32 $0x6400  }
0x1c: {  	[tilespmem:s21], [sflag:$0x3] =	stream.indirect.gather [hbm4b:s5+s13], $0x40, s20, s13, $0xb8;
	[tilespmem:$0x14800] =	vst v63  }
0x1d: {  	s24 =	rddreg [dreg:$0x4];
	s21 =	simm.s32 $0x0  }
0x1e: {  	[tilespmem:s22], [sflag:$0x2] =	stream.strided.gather [hbm4b:s24+s13], $0x200, s7, s13, $0x38;
	[tilespmem:$0x14800] =	vst v63  }
.LBB2_2:
0x1f: {  	_ =	swait.ge [sflag:s23], $0x200  }
0x20: {  	[sflag:s23] =	ssyncset.done $0x0  }
0x21: {  	s1 =	simm.s32 $0x8400;
	[sflag:s23] =	ssyncadd.s32 $0xFFFFFE00  }
0x22: {  	[tilespmem:s1], [sflag:$0x4] =	stream.indirect.gather [hbm4b:s5+s13], $0x40, s22, s13, $0xb8;
	[tilespmem:$0x14800] =	vst v63  }
0x23: {  	_ = 	snop  }
0x24: {  	[tilespmem:s26], [sflag:$0x4] =	stream.indirect.gather [hbm4b:s5+s13], $0x40, s25, s13, $0xb8;
	[tilespmem:$0x14800] =	vst v63  }
0x25: {  	_ = 	snop  }
0x26: {  	[tilespmem:s29], [sflag:$0x4] =	stream.indirect.gather [hbm4b:s5+s13], $0x40, s28, s13, $0xb8;
	[tilespmem:$0x14800] =	vst v63  }
0x27: {  	_ = 	snop  }
0x28: {  	[tilespmem:s31], [sflag:$0x4] =	stream.indirect.gather [hbm4b:s5+s13], $0x40, s30, s13, $0xb8;
	[tilespmem:$0x14800] =	vst v63  }
0x29: {  	_ =	swait.ge [sflag:s0], $0x2000  }
0x2a: {  	[sflag:s0] =	ssyncset.done $0x0  }
0x2b: {  	[sflag:s0] =	ssyncadd.s32 $0xFFFFE000  }
0x2c: {  	_ =	swait.ge [sflag:s0], $0x2000  }
0x2d: {  	[sflag:s0] =	ssyncset.done $0x0  }
0x2e: {  	p0 =	seq.s32 s21, $0x63;
	[sflag:s0] =	ssyncadd.s32 $0xFFFFE000  }
0x2f: {  	p1 =	seq.s32 @!p0 s21, $0x0;
	_ =	swait.ge [sflag:s0], $0x2000  }
0x30: {  	p1 =	por p0, !p1;
	[sflag:s0] =	ssyncset.done $0x0  }
.Ltmp0:
0x31: {  	s14 =	sshll.u32 @!p0 s21, $0xF;
	[sflag:s0] =	ssyncadd.s32 $0xFFFFE000;
	(pc) =	sbr.rel @!p1 .LBB2_3-.Ltmp0, $4  }
0x32: {  	s7 =	simm.s32 @!p0 $0x80;
	s1 =	sadd.s32 @!p0 s9, s14;
	_ =	swait.ge [sflag:s0], $0x2000  }
0x33: {  	s8 =	simm.s32 @!p0 $0x1000;
	s1 =	sshrl.u32 @!p0 s1, $0x3;
	[sflag:s0] =	ssyncset.done $0x0  }
0x34: {  	s12 =	simm.s32 @!p0 $0x0;
	s1 =	sadd.s32 @!p0 s4, s1;
	[sflag:s0] =	ssyncadd.s32 $0xFFFFE000  }
0x35: {  	[tilespmem:s12], [sflag:$0x1] =	stream.strided.gather @!p0 [hbm4b:s1+s7], $0x200, s8, s7, $0x38;
	[tilespmem:$0x14800] =	vst v63  }
.Ltmp1:
0x36: {  	(pc) =	sbr.rel .LBB2_5-.Ltmp1, $4  }
0x37: {  	_ = 	snop  }
0x38: {  	_ =	swait.ge [sflag:s18], $0x2000  }
0x39: {  	[sflag:s18] =	ssyncset.done $0x0  }
0x3a: {  	p1 =	por $0x0, $0x0;
	[sflag:s18] =	ssyncadd.s32 $0xFFFFE000  }
.LBB2_3:
0x3b: {  	p1 =	por @!p0 $0x1, $0x1  }
.LBB2_5:
0x3c: {  	s1 =	simm.s32 $0x0  }
0x3d: {  	v4 =	vld [tilespmem:s1+$0x2430]  }
0x3e: {  	v6 =	vld [tilespmem:s1+$0x430]  }
0x3f: {  	v5 =	vld [tilespmem:s1+$0x6420]  }
0x40: {  	v7 =	vld [tilespmem:s1+$0x4420]  }
0x41: {  	v8 =	vld [tilespmem:s1+$0x6410]  }
0x42: {  	v9 =	vld [tilespmem:s1+$0x420]  }
0x43: {  	v10 =	vld [tilespmem:s1+$0x4410]  }
0x44: {  	v11 =	vld [tilespmem:s1+$0x2420]  }
0x45: {  	v12 =	vld [tilespmem:s1+$0x400]  }
0x46: {  	v13 =	vld [tilespmem:s1+$0x2410]  }
0x47: {  	v14 =	vld [tilespmem:s1+$0x410]  }
0x48: {  	v15 =	vld [tilespmem:s1+$0x6400]  }
0x49: {  	v16 =	vld [tilespmem:s1+$0x4400]  }
0x4a: {  	v17 =	vld [tilespmem:s1+$0x2400]  }
0x4b: {  	s7 =	simm.s32 $0x0;
	v18 =	vld [tilespmem:s1+$0x6430]  }
0x4c: {  	v19 =	vmov s7;
	v20 =	vld [tilespmem:s1+$0x4430]  }
0x4d: {  	v21 =	vadd.f32 v5, v7;
	v5 =	vadd.f32 v8, v10;
	v7 =	vand.u32 $0x7F, v19  }
0x4e: {  	v9 =	vadd.f32 v11, v9;
	v8 =	vadd.f32 v13, v14;
	v10 =	vadd.s32 v0, v7  }
0x4f: {  	v11 =	vadd.f32 v15, v16;
	v12 =	vadd.f32 v17, v12  }
0x50: {  	v62 =	vadd.f32 v4, v6;
	v5 =	vadd.f32 v5, v8;
	v8 =	vadd.s32 v1, v7  }
0x51: {  	s7 =	simm.s32 $0x1;
	v63 =	vadd.f32 v18, v20;
	v6 =	vadd.s32 v2, v7;
	v11 =	vadd.f32 v11, v12  }
0x52: {  	v4 =	vmov s7;
	v7 =	vadd.s32 v3, v7  }
0x53: {  	s8 =	sshll.u32 s21, $0x10;
	s15 =	simm.s32 $0x200;
	s12 =	simm.s32 $0x40;
	v4 =	vand.u32 $0x7F, v4;
	v9 =	vadd.f32 v21, v9;
	[tilespmem:v10+s2+$0x0] =	vst.idx.msk $0xffff, v11;
	v10 =	vadd.f32 v63, v62  }
.LBB2_6:
0x54: {  	p2 =	sne.s32 s15, $0x7F00  }
0x55: {  	s7 =	sadd.s32 $0x1, s7;
	[tilespmem:v8+s2+$0x0] =	vst.idx.msk $0xffff, v5;
	s1 =	smov.u32 s15;
	s15 =	sadd.s32 $0x100, s15  }
0x56: {  	v5 =	vmov s7;
	[tilespmem:v6+s2+$0x0] =	vst.idx.msk $0xffff, v9  }
0x57: {  	v9 =	vand.u32 $0x7F, v5;
	[tilespmem:v7+s2+$0x0] =	vst.idx.msk $0xffff, v10  }
0x58: {  	v7 =	vld [tilespmem:s12+$0x2430]  }
0x59: {  	v10 =	vld [tilespmem:s12+$0x430]  }
0x5a: {  	v5 =	vld [tilespmem:s12+$0x6420]  }
0x5b: {  	v6 =	vld [tilespmem:s12+$0x4420]  }
0x5c: {  	v8 =	vld [tilespmem:s12+$0x6410]  }
0x5d: {  	v11 =	vld [tilespmem:s12+$0x420]  }
0x5e: {  	v12 =	vld [tilespmem:s12+$0x4410]  }
0x5f: {  	v13 =	vld [tilespmem:s12+$0x2420]  }
0x60: {  	v14 =	vld [tilespmem:s12+$0x400];
	v15 =	vadd.f32 v5, v6  }
0x61: {  	v5 =	vld [tilespmem:s12+$0x2410]  }
0x62: {  	s1 =	sshra.s32 s1, $0x2;
	v6 =	vld [tilespmem:s12+$0x410]  }
0x63: {  	v16 =	vld [tilespmem:s12+$0x6400];
	v8 =	vadd.f32 v8, v12  }
0x64: {  	v12 =	vld [tilespmem:s12+$0x4400];
	v11 =	vadd.f32 v13, v11  }
0x65: {  	v13 =	vld [tilespmem:s12+$0x2400]  }
0x66: {  	v17 =	vld [tilespmem:s12+$0x6430]  }
0x67: {  	v18 =	vld [tilespmem:s12+$0x4430];
	v5 =	vadd.f32 v5, v6;
	s12 =	smov.u32 s1  }
0x68: {  	v19 =	vadd.s32 v0, v4  }
0x69: {  	v12 =	vadd.f32 v16, v12;
	v5 =	vadd.f32 v8, v5;
	v8 =	vadd.s32 v1, v4  }
.Ltmp2:
0x6a: {  	v10 =	vadd.f32 v7, v10;
	v6 =	vadd.s32 v2, v4;
	v13 =	vadd.f32 v13, v14;
	(pc) =	sbr.rel @p2 .LBB2_6-.Ltmp2, $4  }
0x6b: {  	v7 =	vadd.s32 v3, v4;
	v4 =	vmov v9  }
0x6c: {  	v12 =	vadd.f32 v12, v13;
	v13 =	vadd.f32 v17, v18  }
0x6d: {  	v9 =	vadd.f32 v15, v11  }
0x6e: {  	[tilespmem:v19+s2+$0x0] =	vst.idx.msk $0xffff, v12;
	v10 =	vadd.f32 v13, v10  }
0x6f: {  	_ =	sdelay $0x3  }
0x70: {  	[tilespmem:v8+s2+$0x0] =	vst.idx.msk $0xffff, v5  }
0x71: {  	[tilespmem:v6+s2+$0x0] =	vst.idx.msk $0xffff, v9  }
0x72: {  	[tilespmem:v7+s2+$0x0] =	vst.idx.msk $0xffff, v10  }
0x73: {  	v5 =	vld [tilespmem:s12+$0x2430]  }
0x74: {  	v6 =	vld [tilespmem:s12+$0x430]  }
0x75: {  	v7 =	vld [tilespmem:s12+$0x6420]  }
0x76: {  	v8 =	vld [tilespmem:s12+$0x4420]  }
0x77: {  	v9 =	vld [tilespmem:s12+$0x6410]  }
0x78: {  	v10 =	vld [tilespmem:s12+$0x420]  }
0x79: {  	v11 =	vld [tilespmem:s12+$0x4410]  }
0x7a: {  	v12 =	vld [tilespmem:s12+$0x400]  }
0x7b: {  	v13 =	vld [tilespmem:s12+$0x2410]  }
0x7c: {  	v14 =	vld [tilespmem:s12+$0x410]  }
0x7d: {  	v15 =	vld [tilespmem:s12+$0x6400]  }
0x7e: {  	v16 =	vld [tilespmem:s12+$0x4400]  }
0x7f: {  	v17 =	vld [tilespmem:s12+$0x2400]  }
0x80: {  	v18 =	vld [tilespmem:s12+$0x2420]  }
0x81: {  	v19 =	vld [tilespmem:s12+$0x6430]  }
0x82: {  	v20 =	vld [tilespmem:s12+$0x4430]  }
0x83: {  	v57 =	vadd.s32 v0, v4;
	v9 =	vadd.f32 v9, v11;
	v56 =	vadd.f32 v13, v14  }
0x84: {  	v59 =	vadd.s32 v1, v4;
	v58 =	vadd.f32 v15, v16;
	v12 =	vadd.f32 v17, v12  }
0x85: {  	v61 =	vadd.s32 v2, v4;
	v7 =	vadd.f32 v7, v8;
	v60 =	vadd.f32 v18, v10  }
0x86: {  	v4 =	vadd.s32 v3, v4;
	v5 =	vadd.f32 v5, v6;
	v62 =	vadd.f32 v58, v12  }
0x87: {  	v63 =	vadd.f32 v19, v20;
	v9 =	vadd.f32 v9, v56  }
0x88: {  	v7 =	vadd.f32 v7, v60;
	[tilespmem:v57+s2+$0x0] =	vst.idx.msk $0xffff, v62  }
0x89: {  	v5 =	vadd.f32 v63, v5;
	[tilespmem:v59+s2+$0x0] =	vst.idx.msk $0xffff, v9  }
0x8a: {  	s8 =	sor.u32 s6, s8;
	s1 =	rddreg [dreg:$0x1];
	[tilespmem:v61+s2+$0x0] =	vst.idx.msk $0xffff, v7  }
0x8b: {  	s7 =	simm.s32 $0x10400;
	s12 =	sadd.s32 s1, s8;
	[tilespmem:v4+s2+$0x0] =	vst.idx.msk $0xffff, v5  }
0x8c: {  	[hbm4b:s12+s3] =	stream.linear.scatter [tilespmem:s7], [sflag:$0x5], $0x80, $0x38;
	[tilespmem:$0x14800] =	vst v63  }
0x8d: {  	s15 =	simm.s32 $0x10488;
	s7 =	sadd.s32 $0x10, s12  }
0x8e: {  	[hbm4b:s7+s3] =	stream.linear.scatter [tilespmem:s15], [sflag:$0x5], $0x80, $0x38;
	[tilespmem:$0x14800] =	vst v63  }
0x8f: {  	s20 =	simm.s32 $0x10510;
	s24 =	sadd.s32 $0x20, s12  }
0x90: {  	[hbm4b:s24+s3] =	stream.linear.scatter [tilespmem:s20], [sflag:$0x5], $0x80, $0x38;
	[tilespmem:$0x14800] =	vst v63  }
0x91: {  	s7 =	simm.s32 $0x10598;
	s15 =	sadd.s32 $0x30, s12  }
0x92: {  	[hbm4b:s15+s3] =	stream.linear.scatter [tilespmem:s7], [sflag:$0x5], $0x80, $0x38;
	[tilespmem:$0x14800] =	vst v63  }
0x93: {  	s20 =	simm.s32 $0x10620;
	s24 =	sadd.s32 $0x40, s12  }
0x94: {  	[hbm4b:s24+s3] =	stream.linear.scatter [tilespmem:s20], [sflag:$0x5], $0x80, $0x38;
	[tilespmem:$0x14800] =	vst v63  }
0x95: {  	s1 =	sadd.s32 $0x70, s12;
	s7 =	simm.s32 $0x106A8;
	s15 =	sadd.s32 $0x50, s12  }
0x96: {  	[hbm4b:s15+s3] =	stream.linear.scatter [tilespmem:s7], [sflag:$0x5], $0x80, $0x38;
	[tilespmem:$0x14800] =	vst v63  }
0x97: {  	s20 =	simm.s32 $0x10730;
	s24 =	sadd.s32 $0x60, s12;
	s12 =	sadd.s32 $0x1000, s12  }
0x98: {  	[hbm4b:s24+s3] =	stream.linear.scatter [tilespmem:s20], [sflag:$0x5], $0x80, $0x38;
	[tilespmem:$0x14800] =	vst v63  }
0x99: {  	s7 =	simm.s32 $0x440;
	s15 =	simm.s32 $0x2200;
	s20 =	simm.s32 $0x107B8  }
.LBB2_8:
0x9a: {  	[hbm4b:s1+s3] =	stream.linear.scatter [tilespmem:s20], [sflag:$0x5], $0x80, $0x38;
	[tilespmem:$0x14800] =	vst v63  }
0x9b: {  	s1 =	smov.u32 s7;
	s7 =	smov.u32 s15  }
0x9c: {  	s24 =	sadd.s32 $0x1100, s15;
	s7 =	sshra.s32 s7, $0x2;
	s20 =	sadd.s32 $0x10400, s1  }
0x9d: {  	[hbm4b:s12+s3] =	stream.linear.scatter [tilespmem:s20], [sflag:$0x5], $0x80, $0x38;
	[tilespmem:$0x14800] =	vst v63  }
0x9e: {  	p2 =	sne.s32 s15, $0x7700;
	s15 =	sadd.s32 $0x10488, s1;
	s20 =	sadd.s32 $0x10, s12  }
0x9f: {  	[hbm4b:s20+s3] =	stream.linear.scatter [tilespmem:s15], [sflag:$0x5], $0x80, $0x38;
	[tilespmem:$0x14800] =	vst v63  }
0xa0: {  	s15 =	sadd.s32 $0x10510, s1;
	s20 =	sadd.s32 $0x20, s12  }
0xa1: {  	[hbm4b:s20+s3] =	stream.linear.scatter [tilespmem:s15], [sflag:$0x5], $0x80, $0x38;
	[tilespmem:$0x14800] =	vst v63  }
0xa2: {  	s15 =	sadd.s32 $0x10598, s1;
	s20 =	sadd.s32 $0x30, s12  }
0xa3: {  	[hbm4b:s20+s3] =	stream.linear.scatter [tilespmem:s15], [sflag:$0x5], $0x80, $0x38;
	[tilespmem:$0x14800] =	vst v63  }
0xa4: {  	s15 =	sadd.s32 $0x10620, s1;
	s20 =	sadd.s32 $0x40, s12  }
0xa5: {  	[hbm4b:s20+s3] =	stream.linear.scatter [tilespmem:s15], [sflag:$0x5], $0x80, $0x38;
	[tilespmem:$0x14800] =	vst v63  }
0xa6: {  	s15 =	sadd.s32 $0x106A8, s1;
	s20 =	sadd.s32 $0x50, s12  }
0xa7: {  	[hbm4b:s20+s3] =	stream.linear.scatter [tilespmem:s15], [sflag:$0x5], $0x80, $0x38;
	[tilespmem:$0x14800] =	vst v63  }
.Ltmp3:
0xa8: {  	_ = 	snop;
	(pc) =	sbr.rel @p2 .LBB2_8-.Ltmp3, $4  }
0xa9: {  	s15 =	sadd.s32 $0x10730, s1;
	s20 =	sadd.s32 $0x60, s12  }
0xaa: {  	[hbm4b:s20+s3] =	stream.linear.scatter [tilespmem:s15], [sflag:$0x5], $0x80, $0x38;
	[tilespmem:$0x14800] =	vst v63  }
0xab: {  	s20 =	sadd.s32 $0x107B8, s1  }
0xac: {  	s1 =	sadd.s32 $0x70, s12;
	s12 =	sadd.s32 $0x1000, s12;
	s15 =	smov.u32 s24  }
0xad: {  	[hbm4b:s1+s3] =	stream.linear.scatter [tilespmem:s20], [sflag:$0x5], $0x80, $0x38;
	[tilespmem:$0x14800] =	vst v63  }
0xae: {  	s20 =	sadd.s32 $0x10400, s7  }
0xaf: {  	[hbm4b:s12+s3] =	stream.linear.scatter [tilespmem:s20], [sflag:$0x5], $0x80, $0x38;
	[tilespmem:$0x14800] =	vst v63  }
0xb0: {  	s24 =	sadd.s32 $0x10488, s7;
	s15 =	sadd.s32 $0x10, s12  }
0xb1: {  	[hbm4b:s15+s3] =	stream.linear.scatter [tilespmem:s24], [sflag:$0x5], $0x80, $0x38;
	[tilespmem:$0x14800] =	vst v63  }
0xb2: {  	s20 =	sadd.s32 $0x10510, s7;
	s24 =	sadd.s32 $0x20, s12  }
0xb3: {  	[hbm4b:s24+s3] =	stream.linear.scatter [tilespmem:s20], [sflag:$0x5], $0x80, $0x38;
	[tilespmem:$0x14800] =	vst v63  }
0xb4: {  	s20 =	sadd.s32 $0x10598, s7;
	s24 =	sadd.s32 $0x30, s12  }
0xb5: {  	[hbm4b:s24+s3] =	stream.linear.scatter [tilespmem:s20], [sflag:$0x5], $0x80, $0x38;
	[tilespmem:$0x14800] =	vst v63  }
0xb6: {  	s20 =	sadd.s32 $0x10620, s7;
	s24 =	sadd.s32 $0x40, s12  }
0xb7: {  	[hbm4b:s24+s3] =	stream.linear.scatter [tilespmem:s20], [sflag:$0x5], $0x80, $0x38;
	[tilespmem:$0x14800] =	vst v63  }
0xb8: {  	s20 =	sadd.s32 $0x106A8, s7;
	s24 =	sadd.s32 $0x50, s12  }
0xb9: {  	[hbm4b:s24+s3] =	stream.linear.scatter [tilespmem:s20], [sflag:$0x5], $0x80, $0x38;
	[tilespmem:$0x14800] =	vst v63  }
0xba: {  	s20 =	sadd.s32 $0x10730, s7;
	s24 =	sadd.s32 $0x60, s12  }
0xbb: {  	[hbm4b:s24+s3] =	stream.linear.scatter [tilespmem:s20], [sflag:$0x5], $0x80, $0x38;
	[tilespmem:$0x14800] =	vst v63  }
0xbc: {  	s1 =	simm.s32 @!p0 $0x1;
	s15 =	sadd.s32 $0x70, s12;
	s7 =	sadd.s32 $0x107B8, s7  }
0xbd: {  	[hbm4b:s15+s3] =	stream.linear.scatter [tilespmem:s7], [sflag:$0x5], $0x80, $0x38;
	[tilespmem:$0x14800] =	vst v63  }
0xbe: {  	_ =	swait.ge @!p0 [sflag:s1], $0x200  }
0xbf: {  	s12 =	simm.s32 @!p0 $0x400;
	[sflag:s1] =	ssyncset.done @!p0 $0x0  }
0xc0: {  	s7 =	simm.s32 @!p0 $0x0;
	[sflag:s1] =	ssyncadd.s32 @!p0 $0xFFFFFE00;
	s1 =	simm.s32 @!p0 $0x80  }
0xc1: {  	[tilespmem:s12], [sflag:$0x3] =	stream.indirect.gather @!p0 [hbm4b:s5+s1], $0x40, s7, s1, $0xb8;
	[tilespmem:$0x14800] =	vst v63  }
0xc2: {  	s7 =	simm.s32 @!p0 $0x2400  }
0xc3: {  	[tilespmem:s7], [sflag:$0x3] =	stream.indirect.gather @!p0 [hbm4b:s5+s1], $0x40, s1, s1, $0xb8;
	[tilespmem:$0x14800] =	vst v63  }
0xc4: {  	s12 =	simm.s32 @!p0 $0x4400;
	s7 =	simm.s32 @!p0 $0x100  }
0xc5: {  	[tilespmem:s12], [sflag:$0x3] =	stream.indirect.gather @!p0 [hbm4b:s5+s1], $0x40, s7, s1, $0xb8;
	[tilespmem:$0x14800] =	vst v63  }
0xc6: {  	s7 =	simm.s32 @!p0 $0x180;
	s12 =	simm.s32 @!p0 $0x6400  }
0xc7: {  	[tilespmem:s12], [sflag:$0x3] =	stream.indirect.gather @!p0 [hbm4b:s5+s1], $0x40, s7, s1, $0xb8;
	[tilespmem:$0x14800] =	vst v63  }
0xc8: {  	_ =	swait.ge [sflag:s16], $0x2000  }
0xc9: {  	[sflag:s16] =	ssyncset.done $0x0  }
0xca: {  	[sflag:s16] =	ssyncadd.s32 $0xFFFFE000  }
0xcb: {  	_ =	swait.ge [sflag:s16], $0x2000  }
0xcc: {  	[sflag:s16] =	ssyncset.done $0x0  }
0xcd: {  	[sflag:s16] =	ssyncadd.s32 $0xFFFFE000  }
0xce: {  	_ =	swait.ge [sflag:s16], $0x2000  }
0xcf: {  	[sflag:s16] =	ssyncset.done $0x0  }
0xd0: {  	[sflag:s16] =	ssyncadd.s32 $0xFFFFE000  }
0xd1: {  	s7 =	sadd.s32 @!p0 s10, s14;
	_ =	swait.ge [sflag:s16], $0x2000  }
0xd2: {  	s12 =	simm.s32 @!p0 $0x1000;
	s7 =	sshrl.u32 @!p0 s7, $0x3;
	[sflag:s16] =	ssyncset.done $0x0  }
0xd3: {  	s14 =	simm.s32 @!p0 $0x200;
	s7 =	sadd.s32 @!p0 s4, s7;
	[sflag:s16] =	ssyncadd.s32 $0xFFFFE000  }
0xd4: {  	[tilespmem:s14], [sflag:$0x2] =	stream.strided.gather @!p0 [hbm4b:s7+s1], $0x200, s12, s1, $0x38;
	[tilespmem:$0x14800] =	vst v63  }
0xd5: {  	p0 =	por p0, !p1  }
0xd6: {  	_ =	swait.ge @p0 [sflag:s19], $0x2000  }
0xd7: {  	[sflag:s19] =	ssyncset.done @p0 $0x0  }
0xd8: {  	s20 =	simm.s32 $0x0;
	[sflag:s19] =	ssyncadd.s32 @p0 $0xFFFFE000  }
0xd9: {  	v4 =	vld [tilespmem:s20+$0xA430]  }
0xda: {  	v6 =	vld [tilespmem:s20+$0x8430]  }
0xdb: {  	v5 =	vld [tilespmem:s20+$0xE420]  }
0xdc: {  	v7 =	vld [tilespmem:s20+$0xC420]  }
0xdd: {  	v8 =	vld [tilespmem:s20+$0xE410]  }
0xde: {  	v9 =	vld [tilespmem:s20+$0x8420]  }
0xdf: {  	v10 =	vld [tilespmem:s20+$0xC410]  }
0xe0: {  	v11 =	vld [tilespmem:s20+$0xA420]  }
0xe1: {  	v12 =	vld [tilespmem:s20+$0x8400]  }
0xe2: {  	v13 =	vld [tilespmem:s20+$0xA410]  }
0xe3: {  	v14 =	vld [tilespmem:s20+$0x8410]  }
0xe4: {  	v15 =	vld [tilespmem:s20+$0xE400]  }
0xe5: {  	v16 =	vld [tilespmem:s20+$0xC400]  }
0xe6: {  	v17 =	vld [tilespmem:s20+$0xA400]  }
0xe7: {  	s24 =	simm.s32 $0x0;
	v18 =	vld [tilespmem:s20+$0xE430]  }
0xe8: {  	v19 =	vmov s24;
	v20 =	vld [tilespmem:s20+$0xC430]  }
0xe9: {  	v21 =	vadd.f32 v5, v7;
	v5 =	vadd.f32 v8, v10;
	v7 =	vand.u32 $0x7F, v19  }
0xea: {  	v9 =	vadd.f32 v11, v9;
	v8 =	vadd.f32 v13, v14;
	v10 =	vadd.s32 v0, v7  }
0xeb: {  	v11 =	vadd.f32 v15, v16;
	v12 =	vadd.f32 v17, v12  }
0xec: {  	v62 =	vadd.f32 v4, v6;
	v5 =	vadd.f32 v5, v8;
	v8 =	vadd.s32 v1, v7  }
0xed: {  	s7 =	simm.s32 $0x1;
	v63 =	vadd.f32 v18, v20;
	v6 =	vadd.s32 v2, v7;
	v11 =	vadd.f32 v11, v12  }
0xee: {  	v4 =	vmov s7;
	v7 =	vadd.s32 v3, v7  }
0xef: {  	s14 =	simm.s32 $0x200;
	s12 =	simm.s32 $0x40;
	v4 =	vand.u32 $0x7F, v4;
	v9 =	vadd.f32 v21, v9;
	[tilespmem:v10+s17+$0x0] =	vst.idx.msk $0xffff, v11;
	v10 =	vadd.f32 v63, v62  }
.LBB2_10:
0xf0: {  	p0 =	sne.s32 s14, $0x7F00  }
0xf1: {  	s7 =	sadd.s32 $0x1, s7;
	[tilespmem:v8+s17+$0x0] =	vst.idx.msk $0xffff, v5;
	s1 =	smov.u32 s14;
	s14 =	sadd.s32 $0x100, s14  }
0xf2: {  	v5 =	vmov s7;
	[tilespmem:v6+s17+$0x0] =	vst.idx.msk $0xffff, v9  }
0xf3: {  	v9 =	vand.u32 $0x7F, v5;
	[tilespmem:v7+s17+$0x0] =	vst.idx.msk $0xffff, v10  }
0xf4: {  	v7 =	vld [tilespmem:s12+$0xA430]  }
0xf5: {  	v10 =	vld [tilespmem:s12+$0x8430]  }
0xf6: {  	v5 =	vld [tilespmem:s12+$0xE420]  }
0xf7: {  	v6 =	vld [tilespmem:s12+$0xC420]  }
0xf8: {  	v8 =	vld [tilespmem:s12+$0xE410]  }
0xf9: {  	v11 =	vld [tilespmem:s12+$0x8420]  }
0xfa: {  	v12 =	vld [tilespmem:s12+$0xC410]  }
0xfb: {  	v13 =	vld [tilespmem:s12+$0xA420]  }
0xfc: {  	v14 =	vld [tilespmem:s12+$0x8400];
	v15 =	vadd.f32 v5, v6  }
0xfd: {  	v5 =	vld [tilespmem:s12+$0xA410]  }
0xfe: {  	s1 =	sshra.s32 s1, $0x2;
	v6 =	vld [tilespmem:s12+$0x8410]  }
0xff: {  	v16 =	vld [tilespmem:s12+$0xE400];
	v8 =	vadd.f32 v8, v12  }
0x100: {  	v12 =	vld [tilespmem:s12+$0xC400];
	v11 =	vadd.f32 v13, v11  }
0x101: {  	v13 =	vld [tilespmem:s12+$0xA400]  }
0x102: {  	v17 =	vld [tilespmem:s12+$0xE430]  }
0x103: {  	v18 =	vld [tilespmem:s12+$0xC430];
	v5 =	vadd.f32 v5, v6;
	s12 =	smov.u32 s1  }
0x104: {  	v19 =	vadd.s32 v0, v4  }
0x105: {  	v12 =	vadd.f32 v16, v12;
	v5 =	vadd.f32 v8, v5;
	v8 =	vadd.s32 v1, v4  }
.Ltmp4:
0x106: {  	v10 =	vadd.f32 v7, v10;
	v6 =	vadd.s32 v2, v4;
	v13 =	vadd.f32 v13, v14;
	(pc) =	sbr.rel @p0 .LBB2_10-.Ltmp4, $4  }
0x107: {  	v7 =	vadd.s32 v3, v4;
	v4 =	vmov v9  }
0x108: {  	v12 =	vadd.f32 v12, v13;
	v13 =	vadd.f32 v17, v18  }
0x109: {  	v9 =	vadd.f32 v15, v11  }
0x10a: {  	[tilespmem:v19+s17+$0x0] =	vst.idx.msk $0xffff, v12;
	v10 =	vadd.f32 v13, v10  }
0x10b: {  	_ =	sdelay $0x3  }
0x10c: {  	[tilespmem:v8+s17+$0x0] =	vst.idx.msk $0xffff, v5  }
0x10d: {  	[tilespmem:v6+s17+$0x0] =	vst.idx.msk $0xffff, v9  }
0x10e: {  	[tilespmem:v7+s17+$0x0] =	vst.idx.msk $0xffff, v10  }
0x10f: {  	v5 =	vld [tilespmem:s12+$0xA430]  }
0x110: {  	v6 =	vld [tilespmem:s12+$0x8430]  }
0x111: {  	v7 =	vld [tilespmem:s12+$0xE420]  }
0x112: {  	v8 =	vld [tilespmem:s12+$0xC420]  }
0x113: {  	v9 =	vld [tilespmem:s12+$0xE410]  }
0x114: {  	v10 =	vld [tilespmem:s12+$0x8420]  }
0x115: {  	v11 =	vld [tilespmem:s12+$0xC410]  }
0x116: {  	v12 =	vld [tilespmem:s12+$0x8400]  }
0x117: {  	v13 =	vld [tilespmem:s12+$0xA410]  }
0x118: {  	v14 =	vld [tilespmem:s12+$0x8410]  }
0x119: {  	v15 =	vld [tilespmem:s12+$0xE400]  }
0x11a: {  	v16 =	vld [tilespmem:s12+$0xC400]  }
0x11b: {  	v17 =	vld [tilespmem:s12+$0xA400]  }
0x11c: {  	v18 =	vld [tilespmem:s12+$0xA420]  }
0x11d: {  	v19 =	vld [tilespmem:s12+$0xE430]  }
0x11e: {  	v20 =	vld [tilespmem:s12+$0xC430]  }
0x11f: {  	v57 =	vadd.s32 v0, v4;
	v9 =	vadd.f32 v9, v11;
	v56 =	vadd.f32 v13, v14  }
0x120: {  	v59 =	vadd.s32 v1, v4;
	v58 =	vadd.f32 v15, v16;
	v12 =	vadd.f32 v17, v12  }
0x121: {  	v61 =	vadd.s32 v2, v4;
	v7 =	vadd.f32 v7, v8;
	v60 =	vadd.f32 v18, v10  }
0x122: {  	v4 =	vadd.s32 v3, v4;
	v5 =	vadd.f32 v5, v6;
	v62 =	vadd.f32 v58, v12  }
0x123: {  	v63 =	vadd.f32 v19, v20;
	v9 =	vadd.f32 v9, v56  }
0x124: {  	v7 =	vadd.f32 v7, v60;
	[tilespmem:v57+s17+$0x0] =	vst.idx.msk $0xffff, v62  }
0x125: {  	v5 =	vadd.f32 v63, v5;
	[tilespmem:v59+s17+$0x0] =	vst.idx.msk $0xffff, v9  }
0x126: {  	[tilespmem:v61+s17+$0x0] =	vst.idx.msk $0xffff, v7  }
0x127: {  	s8 =	sadd.s32 s8, s11;
	s1 =	simm.s32 $0x12600;
	[tilespmem:v4+s17+$0x0] =	vst.idx.msk $0xffff, v5  }
0x128: {  	[hbm4b:s8+s3] =	stream.linear.scatter [tilespmem:s1], [sflag:$0x6], $0x80, $0x38;
	[tilespmem:$0x14800] =	vst v63  }
0x129: {  	s7 =	sadd.s32 $0x10, s8;
	s12 =	simm.s32 $0x12688  }
0x12a: {  	[hbm4b:s7+s3] =	stream.linear.scatter [tilespmem:s12], [sflag:$0x6], $0x80, $0x38;
	[tilespmem:$0x14800] =	vst v63  }
0x12b: {  	s14 =	simm.s32 $0x12710;
	s20 =	simm.s32 $0x12798;
	s15 =	sadd.s32 $0x20, s8  }
0x12c: {  	[hbm4b:s15+s3] =	stream.linear.scatter [tilespmem:s14], [sflag:$0x6], $0x80, $0x38;
	[tilespmem:$0x14800] =	vst v63  }
0x12d: {  	s24 =	sadd.s32 $0x30, s8;
	s1 =	sadd.s32 $0x70, s8;
	s7 =	simm.s32 $0x12820  }
0x12e: {  	[hbm4b:s24+s3] =	stream.linear.scatter [tilespmem:s20], [sflag:$0x6], $0x80, $0x38;
	[tilespmem:$0x14800] =	vst v63  }
0x12f: {  	s12 =	sadd.s32 $0x40, s8;
	s14 =	simm.s32 $0x128A8;
	s15 =	sadd.s32 $0x50, s8  }
0x130: {  	[hbm4b:s12+s3] =	stream.linear.scatter [tilespmem:s7], [sflag:$0x6], $0x80, $0x38;
	[tilespmem:$0x14800] =	vst v63  }
0x131: {  	s20 =	simm.s32 $0x12930;
	s24 =	sadd.s32 $0x60, s8;
	s8 =	sadd.s32 $0x1000, s8  }
0x132: {  	[hbm4b:s15+s3] =	stream.linear.scatter [tilespmem:s14], [sflag:$0x6], $0x80, $0x38;
	[tilespmem:$0x14800] =	vst v63  }
0x133: {  	s7 =	simm.s32 $0x440;
	s12 =	simm.s32 $0x2200;
	s14 =	simm.s32 $0x129B8  }
0x134: {  	[hbm4b:s24+s3] =	stream.linear.scatter [tilespmem:s20], [sflag:$0x6], $0x80, $0x38;
	[tilespmem:$0x14800] =	vst v63  }
.LBB2_12:
0x135: {  	[hbm4b:s1+s3] =	stream.linear.scatter [tilespmem:s14], [sflag:$0x6], $0x80, $0x38;
	[tilespmem:$0x14800] =	vst v63  }
0x136: {  	s1 =	smov.u32 s7;
	s7 =	smov.u32 s12  }
0x137: {  	s15 =	sadd.s32 $0x1100, s12;
	s7 =	sshra.s32 s7, $0x2;
	s14 =	sadd.s32 $0x12600, s1  }
0x138: {  	[hbm4b:s8+s3] =	stream.linear.scatter [tilespmem:s14], [sflag:$0x6], $0x80, $0x38;
	[tilespmem:$0x14800] =	vst v63  }
0x139: {  	p0 =	sne.s32 s12, $0x7700;
	s12 =	sadd.s32 $0x12688, s1;
	s14 =	sadd.s32 $0x10, s8  }
0x13a: {  	[hbm4b:s14+s3] =	stream.linear.scatter [tilespmem:s12], [sflag:$0x6], $0x80, $0x38;
	[tilespmem:$0x14800] =	vst v63  }
0x13b: {  	s12 =	sadd.s32 $0x12710, s1;
	s14 =	sadd.s32 $0x20, s8  }
0x13c: {  	[hbm4b:s14+s3] =	stream.linear.scatter [tilespmem:s12], [sflag:$0x6], $0x80, $0x38;
	[tilespmem:$0x14800] =	vst v63  }
0x13d: {  	s12 =	sadd.s32 $0x12798, s1;
	s14 =	sadd.s32 $0x30, s8  }
0x13e: {  	[hbm4b:s14+s3] =	stream.linear.scatter [tilespmem:s12], [sflag:$0x6], $0x80, $0x38;
	[tilespmem:$0x14800] =	vst v63  }
0x13f: {  	s12 =	sadd.s32 $0x12820, s1;
	s14 =	sadd.s32 $0x40, s8  }
0x140: {  	[hbm4b:s14+s3] =	stream.linear.scatter [tilespmem:s12], [sflag:$0x6], $0x80, $0x38;
	[tilespmem:$0x14800] =	vst v63  }
0x141: {  	s12 =	sadd.s32 $0x128A8, s1;
	s14 =	sadd.s32 $0x50, s8  }
0x142: {  	[hbm4b:s14+s3] =	stream.linear.scatter [tilespmem:s12], [sflag:$0x6], $0x80, $0x38;
	[tilespmem:$0x14800] =	vst v63  }
.Ltmp5:
0x143: {  	_ = 	snop;
	(pc) =	sbr.rel @p0 .LBB2_12-.Ltmp5, $4  }
0x144: {  	s12 =	sadd.s32 $0x12930, s1;
	s14 =	sadd.s32 $0x60, s8  }
0x145: {  	[hbm4b:s14+s3] =	stream.linear.scatter [tilespmem:s12], [sflag:$0x6], $0x80, $0x38;
	[tilespmem:$0x14800] =	vst v63  }
0x146: {  	s14 =	sadd.s32 $0x129B8, s1  }
0x147: {  	s1 =	sadd.s32 $0x70, s8;
	s8 =	sadd.s32 $0x1000, s8;
	s12 =	smov.u32 s15  }
0x148: {  	[hbm4b:s1+s3] =	stream.linear.scatter [tilespmem:s14], [sflag:$0x6], $0x80, $0x38;
	[tilespmem:$0x14800] =	vst v63  }
0x149: {  	s20 =	sadd.s32 $0x12600, s7  }
0x14a: {  	[hbm4b:s8+s3] =	stream.linear.scatter [tilespmem:s20], [sflag:$0x6], $0x80, $0x38;
	[tilespmem:$0x14800] =	vst v63  }
0x14b: {  	s24 =	sadd.s32 $0x12688, s7;
	s12 =	sadd.s32 $0x10, s8  }
0x14c: {  	[hbm4b:s12+s3] =	stream.linear.scatter [tilespmem:s24], [sflag:$0x6], $0x80, $0x38;
	[tilespmem:$0x14800] =	vst v63  }
0x14d: {  	s14 =	sadd.s32 $0x12710, s7;
	s15 =	sadd.s32 $0x20, s8  }
0x14e: {  	[hbm4b:s15+s3] =	stream.linear.scatter [tilespmem:s14], [sflag:$0x6], $0x80, $0x38;
	[tilespmem:$0x14800] =	vst v63  }
0x14f: {  	s20 =	sadd.s32 $0x12798, s7;
	s24 =	sadd.s32 $0x30, s8  }
0x150: {  	[hbm4b:s24+s3] =	stream.linear.scatter [tilespmem:s20], [sflag:$0x6], $0x80, $0x38;
	[tilespmem:$0x14800] =	vst v63  }
0x151: {  	s21 =	sadd.s32 $0x1, s21;
	s14 =	sadd.s32 $0x12820, s7;
	s15 =	sadd.s32 $0x40, s8  }
0x152: {  	[hbm4b:s15+s3] =	stream.linear.scatter [tilespmem:s14], [sflag:$0x6], $0x80, $0x38;
	[tilespmem:$0x14800] =	vst v63  }
0x153: {  	p0 =	sne.s32 s21, $0x64;
	s20 =	sadd.s32 $0x128A8, s7;
	s24 =	sadd.s32 $0x50, s8  }
0x154: {  	[hbm4b:s24+s3] =	stream.linear.scatter [tilespmem:s20], [sflag:$0x6], $0x80, $0x38;
	[tilespmem:$0x14800] =	vst v63  }
.Ltmp6:
0x155: {  	_ = 	snop;
	(pc) =	sbr.rel @p0 .LBB2_2-.Ltmp6, $4  }
0x156: {  	s14 =	sadd.s32 $0x12930, s7;
	s15 =	sadd.s32 $0x60, s8  }
0x157: {  	[hbm4b:s15+s3] =	stream.linear.scatter [tilespmem:s14], [sflag:$0x6], $0x80, $0x38;
	[tilespmem:$0x14800] =	vst v63  }
0x158: {  	s20 =	sadd.s32 $0x129B8, s7;
	s24 =	sadd.s32 $0x70, s8  }
0x159: {  	[hbm4b:s24+s3] =	stream.linear.scatter [tilespmem:s20], [sflag:$0x6], $0x80, $0x38;
	[tilespmem:$0x14800] =	vst v63  }
0x15a: {  	_ =	swait.ge [sflag:s18], $0x2000  }
0x15b: {  	[sflag:s18] =	ssyncset.done $0x0  }
0x15c: {  	[sflag:s18] =	ssyncadd.s32 $0xFFFFE000  }
0x15d: {  	_ =	swait.ge [sflag:s19], $0x2000  }
0x15e: {  	s7 =	rddreg [dreg:$0x6]  }
0x15f: {  	s1 =	rddreg [dreg:$0x5];
	s7 =	sadd.s32 $0x1, s7  }
0x160: {  	p0 =	sne.s32 s7, s1  }
.Ltmp7:
0x161: {  	_ = 	snop;
	(pc) =	sbr.rel @p0 .LBB2_1-.Ltmp7, $3  }
0x162: {  	_ =	sdelay $0x1  }
0x163: {  	[sflag:s19] =	ssyncset.done $0x0  }
0x164: {  	[sflag:s19] =	ssyncadd.s32 $0xFFFFE000  }
0x165: {  	_ =	sfence.sel $0x180000  }
0x166: {  	[bflag:$0x0] =	sbarrier.arrive $0xFFFF  }
0x167: {  	_ =	strace $0x90000047  }
0x168: {  	s0 =	stileid.u32;
	[bflag:$0x2] =	sbarrier.arrive $0xFFFF  }
0x169: {  	p0 =	sne.s32 s0, $0x0;
	s0 =	rddreg [dreg:$0x2]  }
0x16a: {  	s0 =	sadd.s32 @!p0 $0x100000, s0  }
0x16b: {  	[sflag:s0] =	ssyncadd.tile.s32 @!p0 $0x1;
	_ =	shalt  }
.Lfunc_end2:
_tile_overlayer_lowered:
.L_overlay_start_2:
0x16c: {  	(tag) =	ssettag $0x2  }
0x16d: {  	s0 =	rddreg [dreg:$0x0];
	s2 =	stileid.u32  }
0x16e: {  	s1 =	rddreg [dreg:$0x1];
	p0 =	sne.s32 s2, $0x0  }
0x16f: {  	s3 =	rddreg [dreg:$0x2];
	[bflag:$0x3] =	sbarrier.arrive $0xFFFF;
	s2 =	simm.s32 @!p0 $0x1C07  }
0x170: {  	[timem:s3], [sflag:s2] =	dma.local @!p0 [hbm:s0], s1  }
0x171: {  	s0 =	simm.s32 @!p0 $0x7  }
0x172: {  	_ =	swait.ge @!p0 [sflag:s0], s1  }
0x173: {  	s1 =	ssub.s32 @!p0 $0x0, s1;
	[sflag:s0] =	ssyncset.done @!p0 $0x0  }
0x174: {  	[sflag:s0] =	ssyncadd.s32 @!p0 s1  }
0x175: {  	[bflag:$0x3] =	sbarrier.arrive $0xFFFF  }
0x176: {  	_ =	shalt  }

</sc_bundles>
